<compile_context>
chip_gen: v7x
topology: tpu7x:2x2x1
jax: 0.10.2.dev20260603
libtpu: 0.0.44.dev20260713+nightly
codegen_flags: <defaults>
</compile_context>

<pallas_src>
import functools

import jax
import jax.numpy as jnp
from jax import lax
from jax.experimental import pallas as pl
from jax.experimental.pallas import tpu as pltpu
from jax.experimental.pallas import tpu_sc as plsc

_NC = 2
_NS = 16
_NW = _NC * _NS

_LANES = 128
_CHUNK = 64
_PEROWS = 32
_WAVE = 4


def _positional_encoding(seqlen: int, dmodel: int) -> jnp.ndarray:
    pos = jnp.arange(seqlen, dtype=jnp.float32)[:, None]
    ch = jnp.arange(dmodel, dtype=jnp.float32)[None, :]
    angle = pos * jnp.power(10000.0, -2.0 * ch / float(dmodel))
    even_mask = (jnp.arange(dmodel) % 2 == 0)[None, :]
    return jnp.where(even_mask, jnp.sin(angle), jnp.cos(angle))


@functools.partial(jax.jit, static_argnames=("n_rows", "batch"))
def _sc_embed(idx_flat, table_pad, pe_bcast, *, n_rows, batch):
    b_per_w = n_rows // _NW
    n_chunks = b_per_w // _CHUNK
    seqlen = pe_bcast.shape[0]
    mesh = plsc.VectorSubcoreMesh(core_axis_name="c", subcore_axis_name="s")

    @functools.partial(
        pl.kernel,
        out_type=jax.ShapeDtypeStruct((n_rows, _LANES), jnp.float32),
        mesh=mesh,
        scratch_types=[
            pltpu.VMEM((b_per_w,), jnp.int32),
            pltpu.VMEM_SHARED((seqlen // _NC, _PEROWS, _LANES), jnp.float32),
            [pltpu.VMEM((_CHUNK, _LANES), jnp.float32)
             for _ in range(2 * _WAVE)],
            [pltpu.SemaphoreType.DMA for _ in range(2 * _WAVE)],
            [pltpu.SemaphoreType.DMA for _ in range(2 * _WAVE)],
        ],
    )
    def body(table_hbm, idx_hbm, pe_hbm, out_hbm,
             idx_v, pe_sh, rows_v, gsems, osems):
        sid = lax.axis_index("s")
        cid = lax.axis_index("c")
        wid = cid * _NS + sid
        base = wid * b_per_w
        l_half = seqlen // _NC

        @pl.when(sid == 0)
        def _():
            pltpu.sync_copy(pe_hbm.at[pl.ds(cid * l_half, l_half)], pe_sh)

        plsc.subcore_barrier()
        pltpu.sync_copy(idx_hbm.at[pl.ds(base, b_per_w)], idx_v)

        def fire(b, c):
            off = base + c * _CHUNK
            l_loc = off // batch - cid * l_half
            fills = [
                pltpu.async_copy(pe_sh.at[l_loc],
                                 rows_v[b].at[pl.ds(r * _PEROWS, _PEROWS)],
                                 osems[b])
                for r in range(_CHUNK // _PEROWS)]
            for f in fills:
                f.wait()
            pltpu.async_copy(
                table_hbm.at[idx_v.at[pl.ds(c * _CHUNK, _CHUNK)]],
                rows_v[b], gsems[b], add=True)

        def drain_gather(b):
            pltpu.make_async_copy(out_hbm.at[pl.ds(0, _CHUNK)],
                                  rows_v[b], gsems[b]).wait()

        def store(b, c):
            return pltpu.async_copy(
                rows_v[b], out_hbm.at[pl.ds(base + c * _CHUNK, _CHUNK)],
                osems[b])

        for b in range(_WAVE):
            fire(b, b)

        def body(g):
            for i in range(_WAVE):
                fire(_WAVE + i, g + _WAVE + i)
            for b in range(_WAVE):
                drain_gather(b)
            stores_a = [store(b, g + b) for b in range(_WAVE)]
            for s in stores_a:
                s.wait()
            for b in range(_WAVE):
                nxt = g + 2 * _WAVE + b

                @pl.when(nxt < n_chunks)
                def _():
                    fire(b, nxt)

            for i in range(_WAVE):
                drain_gather(_WAVE + i)
            stores_b = [store(_WAVE + i, g + _WAVE + i) for i in range(_WAVE)]
            for s in stores_b:
                s.wait()

        pl.loop(0, n_chunks, step=2 * _WAVE)(body)

    return body(table_pad, idx_flat, pe_bcast)


def kernel(seq, table):
    batch, seqlen = seq.shape
    dmodel = table.shape[1]
    n_rows = batch * seqlen
    idx_flat = jnp.transpose(seq).reshape(n_rows).astype(jnp.int32)
    table_pad = jnp.pad(table, ((0, 0), (0, _LANES - dmodel)))
    pe = _positional_encoding(seqlen, dmodel)
    pe_pad = jnp.pad(pe, ((0, 0), (0, _LANES - dmodel)))
    pe_bcast = jnp.broadcast_to(pe_pad[:, None, :], (seqlen, _PEROWS, _LANES))
    out = _sc_embed(idx_flat, table_pad, pe_bcast, n_rows=n_rows, batch=batch)
    out = out[:, :dmodel].reshape(seqlen, batch, dmodel)
    return jnp.transpose(out, (1, 0, 2))

# --- scband reference (transcript-rebuilt; emitter-appended) ---
"""Pipeline reference for scband-input-embedding-28853590294857 (READ-ONLY COPY).

The authoritative reference and input builder live on the scoring server;
editing this copy changes nothing except your own understanding.
"""

import jax, jax.numpy as jnp
import numpy as np

DMODEL = 64
VOCAB = 1000000
BATCH = 4096
SEQLEN = 200


def setup_inputs(seed: int = 0) -> dict:
    key = jax.random.key(seed)
    k1, k2 = jax.random.split(key)
    seq = jax.random.randint(k1, (BATCH, SEQLEN), 0, VOCAB, dtype=jnp.int64 if jax.config.jax_enable_x64 else jnp.int32)
    table = jax.random.normal(k2, (VOCAB, DMODEL), dtype=jnp.float32) * 0.02
    return {"seq": seq, "table": table}


def _positional_encoding(seqlen: int, dmodel: int) -> jnp.ndarray:
    # Faithful to the original: for even channel c, angle uses i=c (values 0,2,4,...),
    # for odd channel c, angle uses i=c (values 1,3,5,...). So for ALL channels c:
    # angle(pos, c) = pos * 10000**(-2*c/dmodel); even -> sin, odd -> cos.
    pos = jnp.arange(seqlen, dtype=jnp.float32)[:, None]          # [L, 1]
    ch = jnp.arange(dmodel, dtype=jnp.float32)[None, :]           # [1, D]
    angle = pos * jnp.power(10000.0, -2.0 * ch / float(dmodel))   # [L, D]
    even_mask = (jnp.arange(dmodel) % 2 == 0)[None, :]
    pe = jnp.where(even_mask, jnp.sin(angle), jnp.cos(angle))     # [L, D]
    return pe


def reference(seq, table):
    # Embedding lookup (SparseCore-friendly gather)
    emb_seq = jnp.take(table, seq, axis=0)                        # [B, L, D]
    pe = _positional_encoding(seq.shape[1], table.shape[1])       # [L, D]
    # Original overwrites the numpy copy entirely with PE, then adds to emb_seq.
    model_emb_seq = emb_seq + pe[None, :, :]
    return model_emb_seq

if __name__ == "__main__":
    import jax
    _d = setup_inputs()
    print(jax.jit(kernel)(*tuple(_d.values())))

</pallas_src>

<mosaic_0001>
#map = affine_map<(d0, d1) -> (0, 0)>
#map1 = affine_map<(d0, d1) -> (0)>
#map2 = affine_map<(d0, d1) -> (0, 0, 0)>
module attributes {stable_mosaic.version = 14 : i64} {
  func.func @body(%arg0: i32, %arg1: i32, %arg2: memref<1000000x128xf32, #tpu.memory_space<hbm>>, %arg3: memref<819200xi32, #tpu.memory_space<hbm>>, %arg4: memref<200x32x128xf32, #tpu.memory_space<hbm>>, %arg5: memref<819200x128xf32, #tpu.memory_space<hbm>>, %arg6: memref<25600xi32, #tpu.memory_space<vmem>>, %arg7: memref<100x32x128xf32, #tpu.memory_space<vmem_shared>>, %arg8: memref<64x128xf32, #tpu.memory_space<vmem>>, %arg9: memref<64x128xf32, #tpu.memory_space<vmem>>, %arg10: memref<64x128xf32, #tpu.memory_space<vmem>>, %arg11: memref<64x128xf32, #tpu.memory_space<vmem>>, %arg12: memref<64x128xf32, #tpu.memory_space<vmem>>, %arg13: memref<64x128xf32, #tpu.memory_space<vmem>>, %arg14: memref<64x128xf32, #tpu.memory_space<vmem>>, %arg15: memref<64x128xf32, #tpu.memory_space<vmem>>, %arg16: memref<!tpu.dma_semaphore, #tpu.memory_space<semaphore_mem>>, %arg17: memref<!tpu.dma_semaphore, #tpu.memory_space<semaphore_mem>>, %arg18: memref<!tpu.dma_semaphore, #tpu.memory_space<semaphore_mem>>, %arg19: memref<!tpu.dma_semaphore, #tpu.memory_space<semaphore_mem>>, %arg20: memref<!tpu.dma_semaphore, #tpu.memory_space<semaphore_mem>>, %arg21: memref<!tpu.dma_semaphore, #tpu.memory_space<semaphore_mem>>, %arg22: memref<!tpu.dma_semaphore, #tpu.memory_space<semaphore_mem>>, %arg23: memref<!tpu.dma_semaphore, #tpu.memory_space<semaphore_mem>>, %arg24: memref<!tpu.dma_semaphore, #tpu.memory_space<semaphore_mem>>, %arg25: memref<!tpu.dma_semaphore, #tpu.memory_space<semaphore_mem>>, %arg26: memref<!tpu.dma_semaphore, #tpu.memory_space<semaphore_mem>>, %arg27: memref<!tpu.dma_semaphore, #tpu.memory_space<semaphore_mem>>, %arg28: memref<!tpu.dma_semaphore, #tpu.memory_space<semaphore_mem>>, %arg29: memref<!tpu.dma_semaphore, #tpu.memory_space<semaphore_mem>>, %arg30: memref<!tpu.dma_semaphore, #tpu.memory_space<semaphore_mem>>, %arg31: memref<!tpu.dma_semaphore, #tpu.memory_space<semaphore_mem>>) attributes {dimension_semantics = [#tpu.dimension_semantics<core_parallel>, #tpu.dimension_semantics<subcore_parallel>], iteration_bounds = array<i64: 2, 16>, scalar_prefetch = 0 : i64, scratch_operands = 26 : i64, tpu.core_type = #tpu.core_type<sc_vector_subcore>, window_params = [{transform_indices = #map}, {transform_indices = #map1}, {transform_indices = #map2}, {transform_indices = #map}]} {
    %mul3A = arith.constant 16 : i32
    %mul3A_0 = arith.muli %arg0, %mul3A : i32
    %add3A = arith.addi %mul3A_0, %arg1 : i32
    %mul3A_1 = arith.constant 25600 : i32
    %mul3A_2 = arith.muli %add3A, %mul3A_1 : i32
    %eq3A = arith.constant 0 : i32
    %eq3A_3 = arith.cmpi eq, %arg1, %eq3A : i32
    %convert_element_type3A = arith.extui %eq3A_3 : i1 to i32
    %cond3A = arith.constant 0 : i32
    %cond3A_4 = arith.cmpi ne, %convert_element_type3A, %cond3A : i32
    scf.if %cond3A_4 {
      %mul3A_359 = arith.constant 100 : i32
      %mul3A_360 = arith.muli %arg0, %mul3A_359 : i32
      "tpu.region"() ({
        %run_scoped3A = tpu.sem_alloc : memref<!tpu.dma_semaphore, #tpu.memory_space<semaphore_mem>>
        %dma_start3A_361 = arith.constant 0 : i32
        %dma_start3A_362 = arith.constant 0 : i32
        %dma_start3A_363 = tpu.memref_slice %arg4[%mul3A_360, %dma_start3A_361, %dma_start3A_362] : memref<200x32x128xf32, #tpu.memory_space<hbm>> -> memref<100x32x128xf32, #tpu.memory_space<hbm>>
        tpu.enqueue_dma source(%dma_start3A_363 : memref<100x32x128xf32, #tpu.memory_space<hbm>>) target(%arg7 : memref<100x32x128xf32, #tpu.memory_space<vmem_shared>>) target_semaphore(%run_scoped3A : memref<!tpu.dma_semaphore, #tpu.memory_space<semaphore_mem>>)
        %dma_wait3A_364 = arith.constant 0 : i32
        %dma_wait3A_365 = arith.constant 0 : i32
        %dma_wait3A_366 = tpu.memref_slice %arg4[%mul3A_360, %dma_wait3A_364, %dma_wait3A_365] : memref<200x32x128xf32, #tpu.memory_space<hbm>> -> memref<100x32x128xf32, #tpu.memory_space<hbm>>
        tpu.wait_dma2 semaphore(%run_scoped3A : memref<!tpu.dma_semaphore, #tpu.memory_space<semaphore_mem>>) src(%dma_wait3A_366 : memref<100x32x128xf32, #tpu.memory_space<hbm>>) dst(%arg7 : memref<100x32x128xf32, #tpu.memory_space<vmem_shared>>)
        tpu.yield
      }) : () -> ()
    } else {
    }
    %barrier3A = arith.constant 0 : index
    tpu.barrier barrier_id(%barrier3A)
    "tpu.region"() ({
      %run_scoped3A = tpu.sem_alloc : memref<!tpu.dma_semaphore, #tpu.memory_space<semaphore_mem>>
      %dma_start3A_359 = tpu.memref_slice %arg3[%mul3A_2] : memref<819200xi32, #tpu.memory_space<hbm>> -> memref<25600xi32, #tpu.memory_space<hbm>>
      %dma_start3A_360 = tpu.memref_slice %arg3[%mul3A_2] : memref<819200xi32, #tpu.memory_space<hbm>> -> memref<25600xi32, #tpu.memory_space<hbm>>
      tpu.enqueue_dma source(%dma_start3A_360 : memref<25600xi32, #tpu.memory_space<hbm>>) target(%arg6 : memref<25600xi32, #tpu.memory_space<vmem>>) target_semaphore(%run_scoped3A : memref<!tpu.dma_semaphore, #tpu.memory_space<semaphore_mem>>)
      %dma_wait3A_361 = tpu.memref_slice %arg3[%mul3A_2] : memref<819200xi32, #tpu.memory_space<hbm>> -> memref<25600xi32, #tpu.memory_space<hbm>>
      %dma_wait3A_362 = tpu.memref_slice %arg3[%mul3A_2] : memref<819200xi32, #tpu.memory_space<hbm>> -> memref<25600xi32, #tpu.memory_space<hbm>>
      tpu.wait_dma2 semaphore(%run_scoped3A : memref<!tpu.dma_semaphore, #tpu.memory_space<semaphore_mem>>) src(%dma_wait3A_362 : memref<25600xi32, #tpu.memory_space<hbm>>) dst(%arg6 : memref<25600xi32, #tpu.memory_space<vmem>>)
      tpu.yield
    }) : () -> ()
    %add3A_5 = arith.constant 0 : i32
    %add3A_6 = arith.addi %mul3A_2, %add3A_5 : i32
    %jit3A = arith.constant 4096 : i32
    %div3A = arith.divsi %add3A_6, %jit3A : i32
    %sign3A = arith.constant 0 : i32
    %sign3A_7 = arith.cmpi sgt, %add3A_6, %sign3A : i32
    %sign3A_8 = arith.extui %sign3A_7 : i1 to i32
    %sign3A_9 = arith.constant 0 : i32
    %sign3A_10 = arith.cmpi slt, %add3A_6, %sign3A_9 : i32
    %sign3A_11 = arith.extui %sign3A_10 : i1 to i32
    %sign3A_12 = arith.subi %sign3A_8, %sign3A_11 : i32
    %sign3A_13 = arith.constant 0 : i32
    %sign3A_14 = arith.cmpi sgt, %jit3A, %sign3A_13 : i32
    %sign3A_15 = arith.extui %sign3A_14 : i1 to i32
    %sign3A_16 = arith.constant 0 : i32
    %sign3A_17 = arith.cmpi slt, %jit3A, %sign3A_16 : i32
    %sign3A_18 = arith.extui %sign3A_17 : i1 to i32
    %sign3A_19 = arith.subi %sign3A_15, %sign3A_18 : i32
    %ne3A = arith.cmpi ne, %sign3A_12, %sign3A_19 : i32
    %rem3A = arith.remsi %add3A_6, %jit3A : i32
    %ne3A_20 = arith.constant 0 : i32
    %ne3A_21 = arith.cmpi ne, %rem3A, %ne3A_20 : i32
    %and3A = arith.andi %ne3A, %ne3A_21 : i1
    %sub3A = arith.constant 1 : i32
    %sub3A_22 = arith.subi %div3A, %sub3A : i32
    %select_n3A = arith.select %and3A, %sub3A_22, %div3A : i32
    %mul3A_23 = arith.constant 100 : i32
    %mul3A_24 = arith.muli %arg0, %mul3A_23 : i32
    %sub3A_25 = arith.subi %select_n3A, %mul3A_24 : i32
    %dma_start3A = arith.constant 0 : i32
    %dma_start3A_26 = arith.constant 0 : i32
    %dma_start3A_27 = tpu.memref_slice %arg8[%dma_start3A, %dma_start3A_26] : memref<64x128xf32, #tpu.memory_space<vmem>> -> memref<32x128xf32, #tpu.memory_space<vmem>>
    %dma_start3A_28 = arith.constant 0 : i32
    %dma_start3A_29 = arith.constant 0 : i32
    %dma_start3A_30 = tpu.memref_slice %arg7[%sub3A_25, %dma_start3A_28, %dma_start3A_29] : memref<100x32x128xf32, #tpu.memory_space<vmem_shared>> -> memref<1x32x128xf32, #tpu.memory_space<vmem_shared>>
    %dma_start3A_31 = tpu.memref_squeeze %dma_start3A_30 : memref<1x32x128xf32, #tpu.memory_space<vmem_shared>> -> memref<32x128xf32, #tpu.memory_space<vmem_shared>>
    %dma_start3A_32 = arith.constant 0 : i32
    %dma_start3A_33 = arith.constant 0 : i32
    %dma_start3A_34 = tpu.memref_slice %arg8[%dma_start3A_32, %dma_start3A_33] : memref<64x128xf32, #tpu.memory_space<vmem>> -> memref<32x128xf32, #tpu.memory_space<vmem>>
    %dma_start3A_35 = arith.constant 0 : i32
    %dma_start3A_36 = arith.constant 0 : i32
    %dma_start3A_37 = tpu.memref_slice %arg7[%sub3A_25, %dma_start3A_35, %dma_start3A_36] : memref<100x32x128xf32, #tpu.memory_space<vmem_shared>> -> memref<1x32x128xf32, #tpu.memory_space<vmem_shared>>
    %dma_start3A_38 = tpu.memref_squeeze %dma_start3A_37 : memref<1x32x128xf32, #tpu.memory_space<vmem_shared>> -> memref<32x128xf32, #tpu.memory_space<vmem_shared>>
    tpu.enqueue_dma source(%dma_start3A_38 : memref<32x128xf32, #tpu.memory_space<vmem_shared>>) target(%dma_start3A_34 : memref<32x128xf32, #tpu.memory_space<vmem>>) target_semaphore(%arg24 : memref<!tpu.dma_semaphore, #tpu.memory_space<semaphore_mem>>)
    %dma_start3A_39 = arith.constant 32 : i32
    %dma_start3A_40 = arith.constant 0 : i32
    %dma_start3A_41 = tpu.memref_slice %arg8[%dma_start3A_39, %dma_start3A_40] : memref<64x128xf32, #tpu.memory_space<vmem>> -> memref<32x128xf32, #tpu.memory_space<vmem>>
    %dma_start3A_42 = arith.constant 0 : i32
    %dma_start3A_43 = arith.constant 0 : i32
    %dma_start3A_44 = tpu.memref_slice %arg7[%sub3A_25, %dma_start3A_42, %dma_start3A_43] : memref<100x32x128xf32, #tpu.memory_space<vmem_shared>> -> memref<1x32x128xf32, #tpu.memory_space<vmem_shared>>
    %dma_start3A_45 = tpu.memref_squeeze %dma_start3A_44 : memref<1x32x128xf32, #tpu.memory_space<vmem_shared>> -> memref<32x128xf32, #tpu.memory_space<vmem_shared>>
    %dma_start3A_46 = arith.constant 32 : i32
    %dma_start3A_47 = arith.constant 0 : i32
    %dma_start3A_48 = tpu.memref_slice %arg8[%dma_start3A_46, %dma_start3A_47] : memref<64x128xf32, #tpu.memory_space<vmem>> -> memref<32x128xf32, #tpu.memory_space<vmem>>
    %dma_start3A_49 = arith.constant 0 : i32
    %dma_start3A_50 = arith.constant 0 : i32
    %dma_start3A_51 = tpu.memref_slice %arg7[%sub3A_25, %dma_start3A_49, %dma_start3A_50] : memref<100x32x128xf32, #tpu.memory_space<vmem_shared>> -> memref<1x32x128xf32, #tpu.memory_space<vmem_shared>>
    %dma_start3A_52 = tpu.memref_squeeze %dma_start3A_51 : memref<1x32x128xf32, #tpu.memory_space<vmem_shared>> -> memref<32x128xf32, #tpu.memory_space<vmem_shared>>
    tpu.enqueue_dma source(%dma_start3A_52 : memref<32x128xf32, #tpu.memory_space<vmem_shared>>) target(%dma_start3A_48 : memref<32x128xf32, #tpu.memory_space<vmem>>) target_semaphore(%arg24 : memref<!tpu.dma_semaphore, #tpu.memory_space<semaphore_mem>>)
    %dma_wait3A = arith.constant 0 : i32
    %dma_wait3A_53 = arith.constant 0 : i32
    %dma_wait3A_54 = tpu.memref_slice %arg8[%dma_wait3A, %dma_wait3A_53] : memref<64x128xf32, #tpu.memory_space<vmem>> -> memref<32x128xf32, #tpu.memory_space<vmem>>
    %dma_wait3A_55 = arith.constant 0 : i32
    %dma_wait3A_56 = arith.constant 0 : i32
    %dma_wait3A_57 = tpu.memref_slice %arg7[%sub3A_25, %dma_wait3A_55, %dma_wait3A_56] : memref<100x32x128xf32, #tpu.memory_space<vmem_shared>> -> memref<1x32x128xf32, #tpu.memory_space<vmem_shared>>
    %dma_wait3A_58 = tpu.memref_squeeze %dma_wait3A_57 : memref<1x32x128xf32, #tpu.memory_space<vmem_shared>> -> memref<32x128xf32, #tpu.memory_space<vmem_shared>>
    %dma_wait3A_59 = arith.constant 0 : i32
    %dma_wait3A_60 = arith.constant 0 : i32
    %dma_wait3A_61 = tpu.memref_slice %arg8[%dma_wait3A_59, %dma_wait3A_60] : memref<64x128xf32, #tpu.memory_space<vmem>> -> memref<32x128xf32, #tpu.memory_space<vmem>>
    %dma_wait3A_62 = arith.constant 0 : i32
    %dma_wait3A_63 = arith.constant 0 : i32
    %dma_wait3A_64 = tpu.memref_slice %arg7[%sub3A_25, %dma_wait3A_62, %dma_wait3A_63] : memref<100x32x128xf32, #tpu.memory_space<vmem_shared>> -> memref<1x32x128xf32, #tpu.memory_space<vmem_shared>>
    %dma_wait3A_65 = tpu.memref_squeeze %dma_wait3A_64 : memref<1x32x128xf32, #tpu.memory_space<vmem_shared>> -> memref<32x128xf32, #tpu.memory_space<vmem_shared>>
    tpu.wait_dma2 semaphore(%arg24 : memref<!tpu.dma_semaphore, #tpu.memory_space<semaphore_mem>>) src(%dma_wait3A_65 : memref<32x128xf32, #tpu.memory_space<vmem_shared>>) dst(%dma_wait3A_61 : memref<32x128xf32, #tpu.memory_space<vmem>>)
    %dma_wait3A_66 = arith.constant 32 : i32
    %dma_wait3A_67 = arith.constant 0 : i32
    %dma_wait3A_68 = tpu.memref_slice %arg8[%dma_wait3A_66, %dma_wait3A_67] : memref<64x128xf32, #tpu.memory_space<vmem>> -> memref<32x128xf32, #tpu.memory_space<vmem>>
    %dma_wait3A_69 = arith.constant 0 : i32
    %dma_wait3A_70 = arith.constant 0 : i32
    %dma_wait3A_71 = tpu.memref_slice %arg7[%sub3A_25, %dma_wait3A_69, %dma_wait3A_70] : memref<100x32x128xf32, #tpu.memory_space<vmem_shared>> -> memref<1x32x128xf32, #tpu.memory_space<vmem_shared>>
    %dma_wait3A_72 = tpu.memref_squeeze %dma_wait3A_71 : memref<1x32x128xf32, #tpu.memory_space<vmem_shared>> -> memref<32x128xf32, #tpu.memory_space<vmem_shared>>
    %dma_wait3A_73 = arith.constant 32 : i32
    %dma_wait3A_74 = arith.constant 0 : i32
    %dma_wait3A_75 = tpu.memref_slice %arg8[%dma_wait3A_73, %dma_wait3A_74] : memref<64x128xf32, #tpu.memory_space<vmem>> -> memref<32x128xf32, #tpu.memory_space<vmem>>
    %dma_wait3A_76 = arith.constant 0 : i32
    %dma_wait3A_77 = arith.constant 0 : i32
    %dma_wait3A_78 = tpu.memref_slice %arg7[%sub3A_25, %dma_wait3A_76, %dma_wait3A_77] : memref<100x32x128xf32, #tpu.memory_space<vmem_shared>> -> memref<1x32x128xf32, #tpu.memory_space<vmem_shared>>
    %dma_wait3A_79 = tpu.memref_squeeze %dma_wait3A_78 : memref<1x32x128xf32, #tpu.memory_space<vmem_shared>> -> memref<32x128xf32, #tpu.memory_space<vmem_shared>>
    tpu.wait_dma2 semaphore(%arg24 : memref<!tpu.dma_semaphore, #tpu.memory_space<semaphore_mem>>) src(%dma_wait3A_79 : memref<32x128xf32, #tpu.memory_space<vmem_shared>>) dst(%dma_wait3A_75 : memref<32x128xf32, #tpu.memory_space<vmem>>)
    %dma_start3A_80 = arith.constant 0 : i32
    %dma_start3A_81 = tpu.memref_slice %arg6[%dma_start3A_80] : memref<25600xi32, #tpu.memory_space<vmem>> -> memref<64xi32, #tpu.memory_space<vmem>>
    %dma_start3A_82 = arith.constant 0 : i32
    %dma_start3A_83 = arith.constant 0 : i32
    %dma_start3A_84 = tpu.memref_slice %arg2[%dma_start3A_82, %dma_start3A_83] : memref<1000000x128xf32, #tpu.memory_space<hbm>> -> memref<1000000x128xf32, #tpu.memory_space<hbm>>
    tpu.enqueue_indirect_dma source(%dma_start3A_84 : memref<1000000x128xf32, #tpu.memory_space<hbm>>) target(%arg8 : memref<64x128xf32, #tpu.memory_space<vmem>>) offsets(%dma_start3A_81 : memref<64xi32, #tpu.memory_space<vmem>>) semaphore(%arg16 : memref<!tpu.dma_semaphore, #tpu.memory_space<semaphore_mem>>) {add = true}
    %add3A_85 = arith.constant 64 : i32
    %add3A_86 = arith.addi %mul3A_2, %add3A_85 : i32
    %jit3A_87 = arith.constant 4096 : i32
    %div3A_88 = arith.divsi %add3A_86, %jit3A_87 : i32
    %sign3A_89 = arith.constant 0 : i32
    %sign3A_90 = arith.cmpi sgt, %add3A_86, %sign3A_89 : i32
    %sign3A_91 = arith.extui %sign3A_90 : i1 to i32
    %sign3A_92 = arith.constant 0 : i32
    %sign3A_93 = arith.cmpi slt, %add3A_86, %sign3A_92 : i32
    %sign3A_94 = arith.extui %sign3A_93 : i1 to i32
    %sign3A_95 = arith.subi %sign3A_91, %sign3A_94 : i32
    %sign3A_96 = arith.constant 0 : i32
    %sign3A_97 = arith.cmpi sgt, %jit3A_87, %sign3A_96 : i32
    %sign3A_98 = arith.extui %sign3A_97 : i1 to i32
    %sign3A_99 = arith.constant 0 : i32
    %sign3A_100 = arith.cmpi slt, %jit3A_87, %sign3A_99 : i32
    %sign3A_101 = arith.extui %sign3A_100 : i1 to i32
    %sign3A_102 = arith.subi %sign3A_98, %sign3A_101 : i32
    %ne3A_103 = arith.cmpi ne, %sign3A_95, %sign3A_102 : i32
    %rem3A_104 = arith.remsi %add3A_86, %jit3A_87 : i32
    %ne3A_105 = arith.constant 0 : i32
    %ne3A_106 = arith.cmpi ne, %rem3A_104, %ne3A_105 : i32
    %and3A_107 = arith.andi %ne3A_103, %ne3A_106 : i1
    %sub3A_108 = arith.constant 1 : i32
    %sub3A_109 = arith.subi %div3A_88, %sub3A_108 : i32
    %select_n3A_110 = arith.select %and3A_107, %sub3A_109, %div3A_88 : i32
    %mul3A_111 = arith.constant 100 : i32
    %mul3A_112 = arith.muli %arg0, %mul3A_111 : i32
    %sub3A_113 = arith.subi %select_n3A_110, %mul3A_112 : i32
    %dma_start3A_114 = arith.constant 0 : i32
    %dma_start3A_115 = arith.constant 0 : i32
    %dma_start3A_116 = tpu.memref_slice %arg9[%dma_start3A_114, %dma_start3A_115] : memref<64x128xf32, #tpu.memory_space<vmem>> -> memref<32x128xf32, #tpu.memory_space<vmem>>
    %dma_start3A_117 = arith.constant 0 : i32
    %dma_start3A_118 = arith.constant 0 : i32
    %dma_start3A_119 = tpu.memref_slice %arg7[%sub3A_113, %dma_start3A_117, %dma_start3A_118] : memref<100x32x128xf32, #tpu.memory_space<vmem_shared>> -> memref<1x32x128xf32, #tpu.memory_space<vmem_shared>>
    %dma_start3A_120 = tpu.memref_squeeze %dma_start3A_119 : memref<1x32x128xf32, #tpu.memory_space<vmem_shared>> -> memref<32x128xf32, #tpu.memory_space<vmem_shared>>
    %dma_start3A_121 = arith.constant 0 : i32
    %dma_start3A_122 = arith.constant 0 : i32
    %dma_start3A_123 = tpu.memref_slice %arg9[%dma_start3A_121, %dma_start3A_122] : memref<64x128xf32, #tpu.memory_space<vmem>> -> memref<32x128xf32, #tpu.memory_space<vmem>>
    %dma_start3A_124 = arith.constant 0 : i32
    %dma_start3A_125 = arith.constant 0 : i32
    %dma_start3A_126 = tpu.memref_slice %arg7[%sub3A_113, %dma_start3A_124, %dma_start3A_125] : memref<100x32x128xf32, #tpu.memory_space<vmem_shared>> -> memref<1x32x128xf32, #tpu.memory_space<vmem_shared>>
    %dma_start3A_127 = tpu.memref_squeeze %dma_start3A_126 : memref<1x32x128xf32, #tpu.memory_space<vmem_shared>> -> memref<32x128xf32, #tpu.memory_space<vmem_shared>>
    tpu.enqueue_dma source(%dma_start3A_127 : memref<32x128xf32, #tpu.memory_space<vmem_shared>>) target(%dma_start3A_123 : memref<32x128xf32, #tpu.memory_space<vmem>>) target_semaphore(%arg25 : memref<!tpu.dma_semaphore, #tpu.memory_space<semaphore_mem>>)
    %dma_start3A_128 = arith.constant 32 : i32
    %dma_start3A_129 = arith.constant 0 : i32
    %dma_start3A_130 = tpu.memref_slice %arg9[%dma_start3A_128, %dma_start3A_129] : memref<64x128xf32, #tpu.memory_space<vmem>> -> memref<32x128xf32, #tpu.memory_space<vmem>>
    %dma_start3A_131 = arith.constant 0 : i32
    %dma_start3A_132 = arith.constant 0 : i32
    %dma_start3A_133 = tpu.memref_slice %arg7[%sub3A_113, %dma_start3A_131, %dma_start3A_132] : memref<100x32x128xf32, #tpu.memory_space<vmem_shared>> -> memref<1x32x128xf32, #tpu.memory_space<vmem_shared>>
    %dma_start3A_134 = tpu.memref_squeeze %dma_start3A_133 : memref<1x32x128xf32, #tpu.memory_space<vmem_shared>> -> memref<32x128xf32, #tpu.memory_space<vmem_shared>>
    %dma_start3A_135 = arith.constant 32 : i32
    %dma_start3A_136 = arith.constant 0 : i32
    %dma_start3A_137 = tpu.memref_slice %arg9[%dma_start3A_135, %dma_start3A_136] : memref<64x128xf32, #tpu.memory_space<vmem>> -> memref<32x128xf32, #tpu.memory_space<vmem>>
    %dma_start3A_138 = arith.constant 0 : i32
    %dma_start3A_139 = arith.constant 0 : i32
    %dma_start3A_140 = tpu.memref_slice %arg7[%sub3A_113, %dma_start3A_138, %dma_start3A_139] : memref<100x32x128xf32, #tpu.memory_space<vmem_shared>> -> memref<1x32x128xf32, #tpu.memory_space<vmem_shared>>
    %dma_start3A_141 = tpu.memref_squeeze %dma_start3A_140 : memref<1x32x128xf32, #tpu.memory_space<vmem_shared>> -> memref<32x128xf32, #tpu.memory_space<vmem_shared>>
    tpu.enqueue_dma source(%dma_start3A_141 : memref<32x128xf32, #tpu.memory_space<vmem_shared>>) target(%dma_start3A_137 : memref<32x128xf32, #tpu.memory_space<vmem>>) target_semaphore(%arg25 : memref<!tpu.dma_semaphore, #tpu.memory_space<semaphore_mem>>)
    %dma_wait3A_142 = arith.constant 0 : i32
    %dma_wait3A_143 = arith.constant 0 : i32
    %dma_wait3A_144 = tpu.memref_slice %arg9[%dma_wait3A_142, %dma_wait3A_143] : memref<64x128xf32, #tpu.memory_space<vmem>> -> memref<32x128xf32, #tpu.memory_space<vmem>>
    %dma_wait3A_145 = arith.constant 0 : i32
    %dma_wait3A_146 = arith.constant 0 : i32
    %dma_wait3A_147 = tpu.memref_slice %arg7[%sub3A_113, %dma_wait3A_145, %dma_wait3A_146] : memref<100x32x128xf32, #tpu.memory_space<vmem_shared>> -> memref<1x32x128xf32, #tpu.memory_space<vmem_shared>>
    %dma_wait3A_148 = tpu.memref_squeeze %dma_wait3A_147 : memref<1x32x128xf32, #tpu.memory_space<vmem_shared>> -> memref<32x128xf32, #tpu.memory_space<vmem_shared>>
    %dma_wait3A_149 = arith.constant 0 : i32
    %dma_wait3A_150 = arith.constant 0 : i32
    %dma_wait3A_151 = tpu.memref_slice %arg9[%dma_wait3A_149, %dma_wait3A_150] : memref<64x128xf32, #tpu.memory_space<vmem>> -> memref<32x128xf32, #tpu.memory_space<vmem>>
    %dma_wait3A_152 = arith.constant 0 : i32
    %dma_wait3A_153 = arith.constant 0 : i32
    %dma_wait3A_154 = tpu.memref_slice %arg7[%sub3A_113, %dma_wait3A_152, %dma_wait3A_153] : memref<100x32x128xf32, #tpu.memory_space<vmem_shared>> -> memref<1x32x128xf32, #tpu.memory_space<vmem_shared>>
    %dma_wait3A_155 = tpu.memref_squeeze %dma_wait3A_154 : memref<1x32x128xf32, #tpu.memory_space<vmem_shared>> -> memref<32x128xf32, #tpu.memory_space<vmem_shared>>
    tpu.wait_dma2 semaphore(%arg25 : memref<!tpu.dma_semaphore, #tpu.memory_space<semaphore_mem>>) src(%dma_wait3A_155 : memref<32x128xf32, #tpu.memory_space<vmem_shared>>) dst(%dma_wait3A_151 : memref<32x128xf32, #tpu.memory_space<vmem>>)
    %dma_wait3A_156 = arith.constant 32 : i32
    %dma_wait3A_157 = arith.constant 0 : i32
    %dma_wait3A_158 = tpu.memref_slice %arg9[%dma_wait3A_156, %dma_wait3A_157] : memref<64x128xf32, #tpu.memory_space<vmem>> -> memref<32x128xf32, #tpu.memory_space<vmem>>
    %dma_wait3A_159 = arith.constant 0 : i32
    %dma_wait3A_160 = arith.constant 0 : i32
    %dma_wait3A_161 = tpu.memref_slice %arg7[%sub3A_113, %dma_wait3A_159, %dma_wait3A_160] : memref<100x32x128xf32, #tpu.memory_space<vmem_shared>> -> memref<1x32x128xf32, #tpu.memory_space<vmem_shared>>
    %dma_wait3A_162 = tpu.memref_squeeze %dma_wait3A_161 : memref<1x32x128xf32, #tpu.memory_space<vmem_shared>> -> memref<32x128xf32, #tpu.memory_space<vmem_shared>>
    %dma_wait3A_163 = arith.constant 32 : i32
    %dma_wait3A_164 = arith.constant 0 : i32
    %dma_wait3A_165 = tpu.memref_slice %arg9[%dma_wait3A_163, %dma_wait3A_164] : memref<64x128xf32, #tpu.memory_space<vmem>> -> memref<32x128xf32, #tpu.memory_space<vmem>>
    %dma_wait3A_166 = arith.constant 0 : i32
    %dma_wait3A_167 = arith.constant 0 : i32
    %dma_wait3A_168 = tpu.memref_slice %arg7[%sub3A_113, %dma_wait3A_166, %dma_wait3A_167] : memref<100x32x128xf32, #tpu.memory_space<vmem_shared>> -> memref<1x32x128xf32, #tpu.memory_space<vmem_shared>>
    %dma_wait3A_169 = tpu.memref_squeeze %dma_wait3A_168 : memref<1x32x128xf32, #tpu.memory_space<vmem_shared>> -> memref<32x128xf32, #tpu.memory_space<vmem_shared>>
    tpu.wait_dma2 semaphore(%arg25 : memref<!tpu.dma_semaphore, #tpu.memory_space<semaphore_mem>>) src(%dma_wait3A_169 : memref<32x128xf32, #tpu.memory_space<vmem_shared>>) dst(%dma_wait3A_165 : memref<32x128xf32, #tpu.memory_space<vmem>>)
    %dma_start3A_170 = arith.constant 64 : i32
    %dma_start3A_171 = tpu.memref_slice %arg6[%dma_start3A_170] : memref<25600xi32, #tpu.memory_space<vmem>> -> memref<64xi32, #tpu.memory_space<vmem>>
    %dma_start3A_172 = arith.constant 0 : i32
    %dma_start3A_173 = arith.constant 0 : i32
    %dma_start3A_174 = tpu.memref_slice %arg2[%dma_start3A_172, %dma_start3A_173] : memref<1000000x128xf32, #tpu.memory_space<hbm>> -> memref<1000000x128xf32, #tpu.memory_space<hbm>>
    tpu.enqueue_indirect_dma source(%dma_start3A_174 : memref<1000000x128xf32, #tpu.memory_space<hbm>>) target(%arg9 : memref<64x128xf32, #tpu.memory_space<vmem>>) offsets(%dma_start3A_171 : memref<64xi32, #tpu.memory_space<vmem>>) semaphore(%arg17 : memref<!tpu.dma_semaphore, #tpu.memory_space<semaphore_mem>>) {add = true}
    %add3A_175 = arith.constant 128 : i32
    %add3A_176 = arith.addi %mul3A_2, %add3A_175 : i32
    %jit3A_177 = arith.constant 4096 : i32
    %div3A_178 = arith.divsi %add3A_176, %jit3A_177 : i32
    %sign3A_179 = arith.constant 0 : i32
    %sign3A_180 = arith.cmpi sgt, %add3A_176, %sign3A_179 : i32
    %sign3A_181 = arith.extui %sign3A_180 : i1 to i32
    %sign3A_182 = arith.constant 0 : i32
    %sign3A_183 = arith.cmpi slt, %add3A_176, %sign3A_182 : i32
    %sign3A_184 = arith.extui %sign3A_183 : i1 to i32
    %sign3A_185 = arith.subi %sign3A_181, %sign3A_184 : i32
    %sign3A_186 = arith.constant 0 : i32
    %sign3A_187 = arith.cmpi sgt, %jit3A_177, %sign3A_186 : i32
    %sign3A_188 = arith.extui %sign3A_187 : i1 to i32
    %sign3A_189 = arith.constant 0 : i32
    %sign3A_190 = arith.cmpi slt, %jit3A_177, %sign3A_189 : i32
    %sign3A_191 = arith.extui %sign3A_190 : i1 to i32
    %sign3A_192 = arith.subi %sign3A_188, %sign3A_191 : i32
    %ne3A_193 = arith.cmpi ne, %sign3A_185, %sign3A_192 : i32
    %rem3A_194 = arith.remsi %add3A_176, %jit3A_177 : i32
    %ne3A_195 = arith.constant 0 : i32
    %ne3A_196 = arith.cmpi ne, %rem3A_194, %ne3A_195 : i32
    %and3A_197 = arith.andi %ne3A_193, %ne3A_196 : i1
    %sub3A_198 = arith.constant 1 : i32
    %sub3A_199 = arith.subi %div3A_178, %sub3A_198 : i32
    %select_n3A_200 = arith.select %and3A_197, %sub3A_199, %div3A_178 : i32
    %mul3A_201 = arith.constant 100 : i32
    %mul3A_202 = arith.muli %arg0, %mul3A_201 : i32
    %sub3A_203 = arith.subi %select_n3A_200, %mul3A_202 : i32
    %dma_start3A_204 = arith.constant 0 : i32
    %dma_start3A_205 = arith.constant 0 : i32
    %dma_start3A_206 = tpu.memref_slice %arg10[%dma_start3A_204, %dma_start3A_205] : memref<64x128xf32, #tpu.memory_space<vmem>> -> memref<32x128xf32, #tpu.memory_space<vmem>>
    %dma_start3A_207 = arith.constant 0 : i32
    %dma_start3A_208 = arith.constant 0 : i32
    %dma_start3A_209 = tpu.memref_slice %arg7[%sub3A_203, %dma_start3A_207, %dma_start3A_208] : memref<100x32x128xf32, #tpu.memory_space<vmem_shared>> -> memref<1x32x128xf32, #tpu.memory_space<vmem_shared>>
    %dma_start3A_210 = tpu.memref_squeeze %dma_start3A_209 : memref<1x32x128xf32, #tpu.memory_space<vmem_shared>> -> memref<32x128xf32, #tpu.memory_space<vmem_shared>>
    %dma_start3A_211 = arith.constant 0 : i32
    %dma_start3A_212 = arith.constant 0 : i32
    %dma_start3A_213 = tpu.memref_slice %arg10[%dma_start3A_211, %dma_start3A_212] : memref<64x128xf32, #tpu.memory_space<vmem>> -> memref<32x128xf32, #tpu.memory_space<vmem>>
    %dma_start3A_214 = arith.constant 0 : i32
    %dma_start3A_215 = arith.constant 0 : i32
    %dma_start3A_216 = tpu.memref_slice %arg7[%sub3A_203, %dma_start3A_214, %dma_start3A_215] : memref<100x32x128xf32, #tpu.memory_space<vmem_shared>> -> memref<1x32x128xf32, #tpu.memory_space<vmem_shared>>
    %dma_start3A_217 = tpu.memref_squeeze %dma_start3A_216 : memref<1x32x128xf32, #tpu.memory_space<vmem_shared>> -> memref<32x128xf32, #tpu.memory_space<vmem_shared>>
    tpu.enqueue_dma source(%dma_start3A_217 : memref<32x128xf32, #tpu.memory_space<vmem_shared>>) target(%dma_start3A_213 : memref<32x128xf32, #tpu.memory_space<vmem>>) target_semaphore(%arg26 : memref<!tpu.dma_semaphore, #tpu.memory_space<semaphore_mem>>)
    %dma_start3A_218 = arith.constant 32 : i32
    %dma_start3A_219 = arith.constant 0 : i32
    %dma_start3A_220 = tpu.memref_slice %arg10[%dma_start3A_218, %dma_start3A_219] : memref<64x128xf32, #tpu.memory_space<vmem>> -> memref<32x128xf32, #tpu.memory_space<vmem>>
    %dma_start3A_221 = arith.constant 0 : i32
    %dma_start3A_222 = arith.constant 0 : i32
    %dma_start3A_223 = tpu.memref_slice %arg7[%sub3A_203, %dma_start3A_221, %dma_start3A_222] : memref<100x32x128xf32, #tpu.memory_space<vmem_shared>> -> memref<1x32x128xf32, #tpu.memory_space<vmem_shared>>
    %dma_start3A_224 = tpu.memref_squeeze %dma_start3A_223 : memref<1x32x128xf32, #tpu.memory_space<vmem_shared>> -> memref<32x128xf32, #tpu.memory_space<vmem_shared>>
    %dma_start3A_225 = arith.constant 32 : i32
    %dma_start3A_226 = arith.constant 0 : i32
    %dma_start3A_227 = tpu.memref_slice %arg10[%dma_start3A_225, %dma_start3A_226] : memref<64x128xf32, #tpu.memory_space<vmem>> -> memref<32x128xf32, #tpu.memory_space<vmem>>
    %dma_start3A_228 = arith.constant 0 : i32
    %dma_start3A_229 = arith.constant 0 : i32
    %dma_start3A_230 = tpu.memref_slice %arg7[%sub3A_203, %dma_start3A_228, %dma_start3A_229] : memref<100x32x128xf32, #tpu.memory_space<vmem_shared>> -> memref<1x32x128xf32, #tpu.memory_space<vmem_shared>>
    %dma_start3A_231 = tpu.memref_squeeze %dma_start3A_230 : memref<1x32x128xf32, #tpu.memory_space<vmem_shared>> -> memref<32x128xf32, #tpu.memory_space<vmem_shared>>
    tpu.enqueue_dma source(%dma_start3A_231 : memref<32x128xf32, #tpu.memory_space<vmem_shared>>) target(%dma_start3A_227 : memref<32x128xf32, #tpu.memory_space<vmem>>) target_semaphore(%arg26 : memref<!tpu.dma_semaphore, #tpu.memory_space<semaphore_mem>>)
    %dma_wait3A_232 = arith.constant 0 : i32
    %dma_wait3A_233 = arith.constant 0 : i32
    %dma_wait3A_234 = tpu.memref_slice %arg10[%dma_wait3A_232, %dma_wait3A_233] : memref<64x128xf32, #tpu.memory_space<vmem>> -> memref<32x128xf32, #tpu.memory_space<vmem>>
    %dma_wait3A_235 = arith.constant 0 : i32
    %dma_wait3A_236 = arith.constant 0 : i32
    %dma_wait3A_237 = tpu.memref_slice %arg7[%sub3A_203, %dma_wait3A_235, %dma_wait3A_236] : memref<100x32x128xf32, #tpu.memory_space<vmem_shared>> -> memref<1x32x128xf32, #tpu.memory_space<vmem_shared>>
    %dma_wait3A_238 = tpu.memref_squeeze %dma_wait3A_237 : memref<1x32x128xf32, #tpu.memory_space<vmem_shared>> -> memref<32x128xf32, #tpu.memory_space<vmem_shared>>
    %dma_wait3A_239 = arith.constant 0 : i32
    %dma_wait3A_240 = arith.constant 0 : i32
    %dma_wait3A_241 = tpu.memref_slice %arg10[%dma_wait3A_239, %dma_wait3A_240] : memref<64x128xf32, #tpu.memory_space<vmem>> -> memref<32x128xf32, #tpu.memory_space<vmem>>
    %dma_wait3A_242 = arith.constant 0 : i32
    %dma_wait3A_243 = arith.constant 0 : i32
    %dma_wait3A_244 = tpu.memref_slice %arg7[%sub3A_203, %dma_wait3A_242, %dma_wait3A_243] : memref<100x32x128xf32, #tpu.memory_space<vmem_shared>> -> memref<1x32x128xf32, #tpu.memory_space<vmem_shared>>
    %dma_wait3A_245 = tpu.memref_squeeze %dma_wait3A_244 : memref<1x32x128xf32, #tpu.memory_space<vmem_shared>> -> memref<32x128xf32, #tpu.memory_space<vmem_shared>>
    tpu.wait_dma2 semaphore(%arg26 : memref<!tpu.dma_semaphore, #tpu.memory_space<semaphore_mem>>) src(%dma_wait3A_245 : memref<32x128xf32, #tpu.memory_space<vmem_shared>>) dst(%dma_wait3A_241 : memref<32x128xf32, #tpu.memory_space<vmem>>)
    %dma_wait3A_246 = arith.constant 32 : i32
    %dma_wait3A_247 = arith.constant 0 : i32
    %dma_wait3A_248 = tpu.memref_slice %arg10[%dma_wait3A_246, %dma_wait3A_247] : memref<64x128xf32, #tpu.memory_space<vmem>> -> memref<32x128xf32, #tpu.memory_space<vmem>>
    %dma_wait3A_249 = arith.constant 0 : i32
    %dma_wait3A_250 = arith.constant 0 : i32
    %dma_wait3A_251 = tpu.memref_slice %arg7[%sub3A_203, %dma_wait3A_249, %dma_wait3A_250] : memref<100x32x128xf32, #tpu.memory_space<vmem_shared>> -> memref<1x32x128xf32, #tpu.memory_space<vmem_shared>>
    %dma_wait3A_252 = tpu.memref_squeeze %dma_wait3A_251 : memref<1x32x128xf32, #tpu.memory_space<vmem_shared>> -> memref<32x128xf32, #tpu.memory_space<vmem_shared>>
    %dma_wait3A_253 = arith.constant 32 : i32
    %dma_wait3A_254 = arith.constant 0 : i32
    %dma_wait3A_255 = tpu.memref_slice %arg10[%dma_wait3A_253, %dma_wait3A_254] : memref<64x128xf32, #tpu.memory_space<vmem>> -> memref<32x128xf32, #tpu.memory_space<vmem>>
    %dma_wait3A_256 = arith.constant 0 : i32
    %dma_wait3A_257 = arith.constant 0 : i32
    %dma_wait3A_258 = tpu.memref_slice %arg7[%sub3A_203, %dma_wait3A_256, %dma_wait3A_257] : memref<100x32x128xf32, #tpu.memory_space<vmem_shared>> -> memref<1x32x128xf32, #tpu.memory_space<vmem_shared>>
    %dma_wait3A_259 = tpu.memref_squeeze %dma_wait3A_258 : memref<1x32x128xf32, #tpu.memory_space<vmem_shared>> -> memref<32x128xf32, #tpu.memory_space<vmem_shared>>
    tpu.wait_dma2 semaphore(%arg26 : memref<!tpu.dma_semaphore, #tpu.memory_space<semaphore_mem>>) src(%dma_wait3A_259 : memref<32x128xf32, #tpu.memory_space<vmem_shared>>) dst(%dma_wait3A_255 : memref<32x128xf32, #tpu.memory_space<vmem>>)
    %dma_start3A_260 = arith.constant 128 : i32
    %dma_start3A_261 = tpu.memref_slice %arg6[%dma_start3A_260] : memref<25600xi32, #tpu.memory_space<vmem>> -> memref<64xi32, #tpu.memory_space<vmem>>
    %dma_start3A_262 = arith.constant 0 : i32
    %dma_start3A_263 = arith.constant 0 : i32
    %dma_start3A_264 = tpu.memref_slice %arg2[%dma_start3A_262, %dma_start3A_263] : memref<1000000x128xf32, #tpu.memory_space<hbm>> -> memref<1000000x128xf32, #tpu.memory_space<hbm>>
    tpu.enqueue_indirect_dma source(%dma_start3A_264 : memref<1000000x128xf32, #tpu.memory_space<hbm>>) target(%arg10 : memref<64x128xf32, #tpu.memory_space<vmem>>) offsets(%dma_start3A_261 : memref<64xi32, #tpu.memory_space<vmem>>) semaphore(%arg18 : memref<!tpu.dma_semaphore, #tpu.memory_space<semaphore_mem>>) {add = true}
    %add3A_265 = arith.constant 192 : i32
    %add3A_266 = arith.addi %mul3A_2, %add3A_265 : i32
    %jit3A_267 = arith.constant 4096 : i32
    %div3A_268 = arith.divsi %add3A_266, %jit3A_267 : i32
    %sign3A_269 = arith.constant 0 : i32
    %sign3A_270 = arith.cmpi sgt, %add3A_266, %sign3A_269 : i32
    %sign3A_271 = arith.extui %sign3A_270 : i1 to i32
    %sign3A_272 = arith.constant 0 : i32
    %sign3A_273 = arith.cmpi slt, %add3A_266, %sign3A_272 : i32
    %sign3A_274 = arith.extui %sign3A_273 : i1 to i32
    %sign3A_275 = arith.subi %sign3A_271, %sign3A_274 : i32
    %sign3A_276 = arith.constant 0 : i32
    %sign3A_277 = arith.cmpi sgt, %jit3A_267, %sign3A_276 : i32
    %sign3A_278 = arith.extui %sign3A_277 : i1 to i32
    %sign3A_279 = arith.constant 0 : i32
    %sign3A_280 = arith.cmpi slt, %jit3A_267, %sign3A_279 : i32
    %sign3A_281 = arith.extui %sign3A_280 : i1 to i32
    %sign3A_282 = arith.subi %sign3A_278, %sign3A_281 : i32
    %ne3A_283 = arith.cmpi ne, %sign3A_275, %sign3A_282 : i32
    %rem3A_284 = arith.remsi %add3A_266, %jit3A_267 : i32
    %ne3A_285 = arith.constant 0 : i32
    %ne3A_286 = arith.cmpi ne, %rem3A_284, %ne3A_285 : i32
    %and3A_287 = arith.andi %ne3A_283, %ne3A_286 : i1
    %sub3A_288 = arith.constant 1 : i32
    %sub3A_289 = arith.subi %div3A_268, %sub3A_288 : i32
    %select_n3A_290 = arith.select %and3A_287, %sub3A_289, %div3A_268 : i32
    %mul3A_291 = arith.constant 100 : i32
    %mul3A_292 = arith.muli %arg0, %mul3A_291 : i32
    %sub3A_293 = arith.subi %select_n3A_290, %mul3A_292 : i32
    %dma_start3A_294 = arith.constant 0 : i32
    %dma_start3A_295 = arith.constant 0 : i32
    %dma_start3A_296 = tpu.memref_slice %arg11[%dma_start3A_294, %dma_start3A_295] : memref<64x128xf32, #tpu.memory_space<vmem>> -> memref<32x128xf32, #tpu.memory_space<vmem>>
    %dma_start3A_297 = arith.constant 0 : i32
    %dma_start3A_298 = arith.constant 0 : i32
    %dma_start3A_299 = tpu.memref_slice %arg7[%sub3A_293, %dma_start3A_297, %dma_start3A_298] : memref<100x32x128xf32, #tpu.memory_space<vmem_shared>> -> memref<1x32x128xf32, #tpu.memory_space<vmem_shared>>
    %dma_start3A_300 = tpu.memref_squeeze %dma_start3A_299 : memref<1x32x128xf32, #tpu.memory_space<vmem_shared>> -> memref<32x128xf32, #tpu.memory_space<vmem_shared>>
    %dma_start3A_301 = arith.constant 0 : i32
    %dma_start3A_302 = arith.constant 0 : i32
    %dma_start3A_303 = tpu.memref_slice %arg11[%dma_start3A_301, %dma_start3A_302] : memref<64x128xf32, #tpu.memory_space<vmem>> -> memref<32x128xf32, #tpu.memory_space<vmem>>
    %dma_start3A_304 = arith.constant 0 : i32
    %dma_start3A_305 = arith.constant 0 : i32
    %dma_start3A_306 = tpu.memref_slice %arg7[%sub3A_293, %dma_start3A_304, %dma_start3A_305] : memref<100x32x128xf32, #tpu.memory_space<vmem_shared>> -> memref<1x32x128xf32, #tpu.memory_space<vmem_shared>>
    %dma_start3A_307 = tpu.memref_squeeze %dma_start3A_306 : memref<1x32x128xf32, #tpu.memory_space<vmem_shared>> -> memref<32x128xf32, #tpu.memory_space<vmem_shared>>
    tpu.enqueue_dma source(%dma_start3A_307 : memref<32x128xf32, #tpu.memory_space<vmem_shared>>) target(%dma_start3A_303 : memref<32x128xf32, #tpu.memory_space<vmem>>) target_semaphore(%arg27 : memref<!tpu.dma_semaphore, #tpu.memory_space<semaphore_mem>>)
    %dma_start3A_308 = arith.constant 32 : i32
    %dma_start3A_309 = arith.constant 0 : i32
    %dma_start3A_310 = tpu.memref_slice %arg11[%dma_start3A_308, %dma_start3A_309] : memref<64x128xf32, #tpu.memory_space<vmem>> -> memref<32x128xf32, #tpu.memory_space<vmem>>
    %dma_start3A_311 = arith.constant 0 : i32
    %dma_start3A_312 = arith.constant 0 : i32
    %dma_start3A_313 = tpu.memref_slice %arg7[%sub3A_293, %dma_start3A_311, %dma_start3A_312] : memref<100x32x128xf32, #tpu.memory_space<vmem_shared>> -> memref<1x32x128xf32, #tpu.memory_space<vmem_shared>>
    %dma_start3A_314 = tpu.memref_squeeze %dma_start3A_313 : memref<1x32x128xf32, #tpu.memory_space<vmem_shared>> -> memref<32x128xf32, #tpu.memory_space<vmem_shared>>
    %dma_start3A_315 = arith.constant 32 : i32
    %dma_start3A_316 = arith.constant 0 : i32
    %dma_start3A_317 = tpu.memref_slice %arg11[%dma_start3A_315, %dma_start3A_316] : memref<64x128xf32, #tpu.memory_space<vmem>> -> memref<32x128xf32, #tpu.memory_space<vmem>>
    %dma_start3A_318 = arith.constant 0 : i32
    %dma_start3A_319 = arith.constant 0 : i32
    %dma_start3A_320 = tpu.memref_slice %arg7[%sub3A_293, %dma_start3A_318, %dma_start3A_319] : memref<100x32x128xf32, #tpu.memory_space<vmem_shared>> -> memref<1x32x128xf32, #tpu.memory_space<vmem_shared>>
    %dma_start3A_321 = tpu.memref_squeeze %dma_start3A_320 : memref<1x32x128xf32, #tpu.memory_space<vmem_shared>> -> memref<32x128xf32, #tpu.memory_space<vmem_shared>>
    tpu.enqueue_dma source(%dma_start3A_321 : memref<32x128xf32, #tpu.memory_space<vmem_shared>>) target(%dma_start3A_317 : memref<32x128xf32, #tpu.memory_space<vmem>>) target_semaphore(%arg27 : memref<!tpu.dma_semaphore, #tpu.memory_space<semaphore_mem>>)
    %dma_wait3A_322 = arith.constant 0 : i32
    %dma_wait3A_323 = arith.constant 0 : i32
    %dma_wait3A_324 = tpu.memref_slice %arg11[%dma_wait3A_322, %dma_wait3A_323] : memref<64x128xf32, #tpu.memory_space<vmem>> -> memref<32x128xf32, #tpu.memory_space<vmem>>
    %dma_wait3A_325 = arith.constant 0 : i32
    %dma_wait3A_326 = arith.constant 0 : i32
    %dma_wait3A_327 = tpu.memref_slice %arg7[%sub3A_293, %dma_wait3A_325, %dma_wait3A_326] : memref<100x32x128xf32, #tpu.memory_space<vmem_shared>> -> memref<1x32x128xf32, #tpu.memory_space<vmem_shared>>
    %dma_wait3A_328 = tpu.memref_squeeze %dma_wait3A_327 : memref<1x32x128xf32, #tpu.memory_space<vmem_shared>> -> memref<32x128xf32, #tpu.memory_space<vmem_shared>>
    %dma_wait3A_329 = arith.constant 0 : i32
    %dma_wait3A_330 = arith.constant 0 : i32
    %dma_wait3A_331 = tpu.memref_slice %arg11[%dma_wait3A_329, %dma_wait3A_330] : memref<64x128xf32, #tpu.memory_space<vmem>> -> memref<32x128xf32, #tpu.memory_space<vmem>>
    %dma_wait3A_332 = arith.constant 0 : i32
    %dma_wait3A_333 = arith.constant 0 : i32
    %dma_wait3A_334 = tpu.memref_slice %arg7[%sub3A_293, %dma_wait3A_332, %dma_wait3A_333] : memref<100x32x128xf32, #tpu.memory_space<vmem_shared>> -> memref<1x32x128xf32, #tpu.memory_space<vmem_shared>>
    %dma_wait3A_335 = tpu.memref_squeeze %dma_wait3A_334 : memref<1x32x128xf32, #tpu.memory_space<vmem_shared>> -> memref<32x128xf32, #tpu.memory_space<vmem_shared>>
    tpu.wait_dma2 semaphore(%arg27 : memref<!tpu.dma_semaphore, #tpu.memory_space<semaphore_mem>>) src(%dma_wait3A_335 : memref<32x128xf32, #tpu.memory_space<vmem_shared>>) dst(%dma_wait3A_331 : memref<32x128xf32, #tpu.memory_space<vmem>>)
    %dma_wait3A_336 = arith.constant 32 : i32
    %dma_wait3A_337 = arith.constant 0 : i32
    %dma_wait3A_338 = tpu.memref_slice %arg11[%dma_wait3A_336, %dma_wait3A_337] : memref<64x128xf32, #tpu.memory_space<vmem>> -> memref<32x128xf32, #tpu.memory_space<vmem>>
    %dma_wait3A_339 = arith.constant 0 : i32
    %dma_wait3A_340 = arith.constant 0 : i32
    %dma_wait3A_341 = tpu.memref_slice %arg7[%sub3A_293, %dma_wait3A_339, %dma_wait3A_340] : memref<100x32x128xf32, #tpu.memory_space<vmem_shared>> -> memref<1x32x128xf32, #tpu.memory_space<vmem_shared>>
    %dma_wait3A_342 = tpu.memref_squeeze %dma_wait3A_341 : memref<1x32x128xf32, #tpu.memory_space<vmem_shared>> -> memref<32x128xf32, #tpu.memory_space<vmem_shared>>
    %dma_wait3A_343 = arith.constant 32 : i32
    %dma_wait3A_344 = arith.constant 0 : i32
    %dma_wait3A_345 = tpu.memref_slice %arg11[%dma_wait3A_343, %dma_wait3A_344] : memref<64x128xf32, #tpu.memory_space<vmem>> -> memref<32x128xf32, #tpu.memory_space<vmem>>
    %dma_wait3A_346 = arith.constant 0 : i32
    %dma_wait3A_347 = arith.constant 0 : i32
    %dma_wait3A_348 = tpu.memref_slice %arg7[%sub3A_293, %dma_wait3A_346, %dma_wait3A_347] : memref<100x32x128xf32, #tpu.memory_space<vmem_shared>> -> memref<1x32x128xf32, #tpu.memory_space<vmem_shared>>
    %dma_wait3A_349 = tpu.memref_squeeze %dma_wait3A_348 : memref<1x32x128xf32, #tpu.memory_space<vmem_shared>> -> memref<32x128xf32, #tpu.memory_space<vmem_shared>>
    tpu.wait_dma2 semaphore(%arg27 : memref<!tpu.dma_semaphore, #tpu.memory_space<semaphore_mem>>) src(%dma_wait3A_349 : memref<32x128xf32, #tpu.memory_space<vmem_shared>>) dst(%dma_wait3A_345 : memref<32x128xf32, #tpu.memory_space<vmem>>)
    %dma_start3A_350 = arith.constant 192 : i32
    %dma_start3A_351 = tpu.memref_slice %arg6[%dma_start3A_350] : memref<25600xi32, #tpu.memory_space<vmem>> -> memref<64xi32, #tpu.memory_space<vmem>>
    %dma_start3A_352 = arith.constant 0 : i32
    %dma_start3A_353 = arith.constant 0 : i32
    %dma_start3A_354 = tpu.memref_slice %arg2[%dma_start3A_352, %dma_start3A_353] : memref<1000000x128xf32, #tpu.memory_space<hbm>> -> memref<1000000x128xf32, #tpu.memory_space<hbm>>
    tpu.enqueue_indirect_dma source(%dma_start3A_354 : memref<1000000x128xf32, #tpu.memory_space<hbm>>) target(%arg11 : memref<64x128xf32, #tpu.memory_space<vmem>>) offsets(%dma_start3A_351 : memref<64xi32, #tpu.memory_space<vmem>>) semaphore(%arg19 : memref<!tpu.dma_semaphore, #tpu.memory_space<semaphore_mem>>) {add = true}
    %scan3A = arith.constant 0 : i32
    %scan3A_355 = arith.constant 50 : i32
    %scan3A_356 = arith.addi %scan3A, %scan3A_355 : i32
    %scan3A_357 = arith.constant 1 : i32
    scf.for %scan3A_359 = %scan3A to %scan3A_356 step %scan3A_357  : i32 {
      %mul3A_360 = arith.constant 8 : i32
      %mul3A_361 = arith.muli %scan3A_359, %mul3A_360 : i32
      %add3A_362 = arith.constant 0 : i32
      %add3A_363 = arith.addi %add3A_362, %mul3A_361 : i32
      %add3A_364 = arith.constant 4 : i32
      %add3A_365 = arith.addi %add3A_363, %add3A_364 : i32
      %add3A_366 = arith.constant 0 : i32
      %add3A_367 = arith.addi %add3A_365, %add3A_366 : i32
      %mul3A_368 = arith.constant 64 : i32
      %mul3A_369 = arith.muli %add3A_367, %mul3A_368 : i32
      %add3A_370 = arith.addi %mul3A_2, %mul3A_369 : i32
      %jit3A_371 = arith.constant 4096 : i32
      %div3A_372 = arith.divsi %add3A_370, %jit3A_371 : i32
      %sign3A_373 = arith.constant 0 : i32
      %sign3A_374 = arith.cmpi sgt, %add3A_370, %sign3A_373 : i32
      %sign3A_375 = arith.extui %sign3A_374 : i1 to i32
      %sign3A_376 = arith.constant 0 : i32
      %sign3A_377 = arith.cmpi slt, %add3A_370, %sign3A_376 : i32
      %sign3A_378 = arith.extui %sign3A_377 : i1 to i32
      %sign3A_379 = arith.subi %sign3A_375, %sign3A_378 : i32
      %sign3A_380 = arith.constant 0 : i32
      %sign3A_381 = arith.cmpi sgt, %jit3A_371, %sign3A_380 : i32
      %sign3A_382 = arith.extui %sign3A_381 : i1 to i32
      %sign3A_383 = arith.constant 0 : i32
      %sign3A_384 = arith.cmpi slt, %jit3A_371, %sign3A_383 : i32
      %sign3A_385 = arith.extui %sign3A_384 : i1 to i32
      %sign3A_386 = arith.subi %sign3A_382, %sign3A_385 : i32
      %ne3A_387 = arith.cmpi ne, %sign3A_379, %sign3A_386 : i32
      %rem3A_388 = arith.remsi %add3A_370, %jit3A_371 : i32
      %ne3A_389 = arith.constant 0 : i32
      %ne3A_390 = arith.cmpi ne, %rem3A_388, %ne3A_389 : i32
      %and3A_391 = arith.andi %ne3A_387, %ne3A_390 : i1
      %sub3A_392 = arith.constant 1 : i32
      %sub3A_393 = arith.subi %div3A_372, %sub3A_392 : i32
      %select_n3A_394 = arith.select %and3A_391, %sub3A_393, %div3A_372 : i32
      %mul3A_395 = arith.constant 100 : i32
      %mul3A_396 = arith.muli %arg0, %mul3A_395 : i32
      %sub3A_397 = arith.subi %select_n3A_394, %mul3A_396 : i32
      %dma_start3A_398 = arith.constant 0 : i32
      %dma_start3A_399 = arith.constant 0 : i32
      %dma_start3A_400 = tpu.memref_slice %arg12[%dma_start3A_398, %dma_start3A_399] : memref<64x128xf32, #tpu.memory_space<vmem>> -> memref<32x128xf32, #tpu.memory_space<vmem>>
      %dma_start3A_401 = arith.constant 0 : i32
      %dma_start3A_402 = arith.constant 0 : i32
      %dma_start3A_403 = tpu.memref_slice %arg7[%sub3A_397, %dma_start3A_401, %dma_start3A_402] : memref<100x32x128xf32, #tpu.memory_space<vmem_shared>> -> memref<1x32x128xf32, #tpu.memory_space<vmem_shared>>
      %dma_start3A_404 = tpu.memref_squeeze %dma_start3A_403 : memref<1x32x128xf32, #tpu.memory_space<vmem_shared>> -> memref<32x128xf32, #tpu.memory_space<vmem_shared>>
      %dma_start3A_405 = arith.constant 0 : i32
      %dma_start3A_406 = arith.constant 0 : i32
      %dma_start3A_407 = tpu.memref_slice %arg12[%dma_start3A_405, %dma_start3A_406] : memref<64x128xf32, #tpu.memory_space<vmem>> -> memref<32x128xf32, #tpu.memory_space<vmem>>
      %dma_start3A_408 = arith.constant 0 : i32
      %dma_start3A_409 = arith.constant 0 : i32
      %dma_start3A_410 = tpu.memref_slice %arg7[%sub3A_397, %dma_start3A_408, %dma_start3A_409] : memref<100x32x128xf32, #tpu.memory_space<vmem_shared>> -> memref<1x32x128xf32, #tpu.memory_space<vmem_shared>>
      %dma_start3A_411 = tpu.memref_squeeze %dma_start3A_410 : memref<1x32x128xf32, #tpu.memory_space<vmem_shared>> -> memref<32x128xf32, #tpu.memory_space<vmem_shared>>
      tpu.enqueue_dma source(%dma_start3A_411 : memref<32x128xf32, #tpu.memory_space<vmem_shared>>) target(%dma_start3A_407 : memref<32x128xf32, #tpu.memory_space<vmem>>) target_semaphore(%arg28 : memref<!tpu.dma_semaphore, #tpu.memory_space<semaphore_mem>>)
      %dma_start3A_412 = arith.constant 32 : i32
      %dma_start3A_413 = arith.constant 0 : i32
      %dma_start3A_414 = tpu.memref_slice %arg12[%dma_start3A_412, %dma_start3A_413] : memref<64x128xf32, #tpu.memory_space<vmem>> -> memref<32x128xf32, #tpu.memory_space<vmem>>
      %dma_start3A_415 = arith.constant 0 : i32
      %dma_start3A_416 = arith.constant 0 : i32
      %dma_start3A_417 = tpu.memref_slice %arg7[%sub3A_397, %dma_start3A_415, %dma_start3A_416] : memref<100x32x128xf32, #tpu.memory_space<vmem_shared>> -> memref<1x32x128xf32, #tpu.memory_space<vmem_shared>>
      %dma_start3A_418 = tpu.memref_squeeze %dma_start3A_417 : memref<1x32x128xf32, #tpu.memory_space<vmem_shared>> -> memref<32x128xf32, #tpu.memory_space<vmem_shared>>
      %dma_start3A_419 = arith.constant 32 : i32
      %dma_start3A_420 = arith.constant 0 : i32
      %dma_start3A_421 = tpu.memref_slice %arg12[%dma_start3A_419, %dma_start3A_420] : memref<64x128xf32, #tpu.memory_space<vmem>> -> memref<32x128xf32, #tpu.memory_space<vmem>>
      %dma_start3A_422 = arith.constant 0 : i32
      %dma_start3A_423 = arith.constant 0 : i32
      %dma_start3A_424 = tpu.memref_slice %arg7[%sub3A_397, %dma_start3A_422, %dma_start3A_423] : memref<100x32x128xf32, #tpu.memory_space<vmem_shared>> -> memref<1x32x128xf32, #tpu.memory_space<vmem_shared>>
      %dma_start3A_425 = tpu.memref_squeeze %dma_start3A_424 : memref<1x32x128xf32, #tpu.memory_space<vmem_shared>> -> memref<32x128xf32, #tpu.memory_space<vmem_shared>>
      tpu.enqueue_dma source(%dma_start3A_425 : memref<32x128xf32, #tpu.memory_space<vmem_shared>>) target(%dma_start3A_421 : memref<32x128xf32, #tpu.memory_space<vmem>>) target_semaphore(%arg28 : memref<!tpu.dma_semaphore, #tpu.memory_space<semaphore_mem>>)
      %dma_wait3A_426 = arith.constant 0 : i32
      %dma_wait3A_427 = arith.constant 0 : i32
      %dma_wait3A_428 = tpu.memref_slice %arg12[%dma_wait3A_426, %dma_wait3A_427] : memref<64x128xf32, #tpu.memory_space<vmem>> -> memref<32x128xf32, #tpu.memory_space<vmem>>
      %dma_wait3A_429 = arith.constant 0 : i32
      %dma_wait3A_430 = arith.constant 0 : i32
      %dma_wait3A_431 = tpu.memref_slice %arg7[%sub3A_397, %dma_wait3A_429, %dma_wait3A_430] : memref<100x32x128xf32, #tpu.memory_space<vmem_shared>> -> memref<1x32x128xf32, #tpu.memory_space<vmem_shared>>
      %dma_wait3A_432 = tpu.memref_squeeze %dma_wait3A_431 : memref<1x32x128xf32, #tpu.memory_space<vmem_shared>> -> memref<32x128xf32, #tpu.memory_space<vmem_shared>>
      %dma_wait3A_433 = arith.constant 0 : i32
      %dma_wait3A_434 = arith.constant 0 : i32
      %dma_wait3A_435 = tpu.memref_slice %arg12[%dma_wait3A_433, %dma_wait3A_434] : memref<64x128xf32, #tpu.memory_space<vmem>> -> memref<32x128xf32, #tpu.memory_space<vmem>>
      %dma_wait3A_436 = arith.constant 0 : i32
      %dma_wait3A_437 = arith.constant 0 : i32
      %dma_wait3A_438 = tpu.memref_slice %arg7[%sub3A_397, %dma_wait3A_436, %dma_wait3A_437] : memref<100x32x128xf32, #tpu.memory_space<vmem_shared>> -> memref<1x32x128xf32, #tpu.memory_space<vmem_shared>>
      %dma_wait3A_439 = tpu.memref_squeeze %dma_wait3A_438 : memref<1x32x128xf32, #tpu.memory_space<vmem_shared>> -> memref<32x128xf32, #tpu.memory_space<vmem_shared>>
      tpu.wait_dma2 semaphore(%arg28 : memref<!tpu.dma_semaphore, #tpu.memory_space<semaphore_mem>>) src(%dma_wait3A_439 : memref<32x128xf32, #tpu.memory_space<vmem_shared>>) dst(%dma_wait3A_435 : memref<32x128xf32, #tpu.memory_space<vmem>>)
      %dma_wait3A_440 = arith.constant 32 : i32
      %dma_wait3A_441 = arith.constant 0 : i32
      %dma_wait3A_442 = tpu.memref_slice %arg12[%dma_wait3A_440, %dma_wait3A_441] : memref<64x128xf32, #tpu.memory_space<vmem>> -> memref<32x128xf32, #tpu.memory_space<vmem>>
      %dma_wait3A_443 = arith.constant 0 : i32
      %dma_wait3A_444 = arith.constant 0 : i32
      %dma_wait3A_445 = tpu.memref_slice %arg7[%sub3A_397, %dma_wait3A_443, %dma_wait3A_444] : memref<100x32x128xf32, #tpu.memory_space<vmem_shared>> -> memref<1x32x128xf32, #tpu.memory_space<vmem_shared>>
      %dma_wait3A_446 = tpu.memref_squeeze %dma_wait3A_445 : memref<1x32x128xf32, #tpu.memory_space<vmem_shared>> -> memref<32x128xf32, #tpu.memory_space<vmem_shared>>
      %dma_wait3A_447 = arith.constant 32 : i32
      %dma_wait3A_448 = arith.constant 0 : i32
      %dma_wait3A_449 = tpu.memref_slice %arg12[%dma_wait3A_447, %dma_wait3A_448] : memref<64x128xf32, #tpu.memory_space<vmem>> -> memref<32x128xf32, #tpu.memory_space<vmem>>
      %dma_wait3A_450 = arith.constant 0 : i32
      %dma_wait3A_451 = arith.constant 0 : i32
      %dma_wait3A_452 = tpu.memref_slice %arg7[%sub3A_397, %dma_wait3A_450, %dma_wait3A_451] : memref<100x32x128xf32, #tpu.memory_space<vmem_shared>> -> memref<1x32x128xf32, #tpu.memory_space<vmem_shared>>
      %dma_wait3A_453 = tpu.memref_squeeze %dma_wait3A_452 : memref<1x32x128xf32, #tpu.memory_space<vmem_shared>> -> memref<32x128xf32, #tpu.memory_space<vmem_shared>>
      tpu.wait_dma2 semaphore(%arg28 : memref<!tpu.dma_semaphore, #tpu.memory_space<semaphore_mem>>) src(%dma_wait3A_453 : memref<32x128xf32, #tpu.memory_space<vmem_shared>>) dst(%dma_wait3A_449 : memref<32x128xf32, #tpu.memory_space<vmem>>)
      %mul3A_454 = arith.constant 64 : i32
      %mul3A_455 = arith.muli %add3A_367, %mul3A_454 : i32
      %dma_start3A_456 = tpu.memref_slice %arg6[%mul3A_455] : memref<25600xi32, #tpu.memory_space<vmem>> -> memref<64xi32, #tpu.memory_space<vmem>>
      %dma_start3A_457 = arith.constant 0 : i32
      %dma_start3A_458 = arith.constant 0 : i32
      %dma_start3A_459 = tpu.memref_slice %arg2[%dma_start3A_457, %dma_start3A_458] : memref<1000000x128xf32, #tpu.memory_space<hbm>> -> memref<1000000x128xf32, #tpu.memory_space<hbm>>
      tpu.enqueue_indirect_dma source(%dma_start3A_459 : memref<1000000x128xf32, #tpu.memory_space<hbm>>) target(%arg12 : memref<64x128xf32, #tpu.memory_space<vmem>>) offsets(%dma_start3A_456 : memref<64xi32, #tpu.memory_space<vmem>>) semaphore(%arg20 : memref<!tpu.dma_semaphore, #tpu.memory_space<semaphore_mem>>) {add = true}
      %add3A_460 = arith.constant 4 : i32
      %add3A_461 = arith.addi %add3A_363, %add3A_460 : i32
      %add3A_462 = arith.constant 1 : i32
      %add3A_463 = arith.addi %add3A_461, %add3A_462 : i32
      %mul3A_464 = arith.constant 64 : i32
      %mul3A_465 = arith.muli %add3A_463, %mul3A_464 : i32
      %add3A_466 = arith.addi %mul3A_2, %mul3A_465 : i32
      %jit3A_467 = arith.constant 4096 : i32
      %div3A_468 = arith.divsi %add3A_466, %jit3A_467 : i32
      %sign3A_469 = arith.constant 0 : i32
      %sign3A_470 = arith.cmpi sgt, %add3A_466, %sign3A_469 : i32
      %sign3A_471 = arith.extui %sign3A_470 : i1 to i32
      %sign3A_472 = arith.constant 0 : i32
      %sign3A_473 = arith.cmpi slt, %add3A_466, %sign3A_472 : i32
      %sign3A_474 = arith.extui %sign3A_473 : i1 to i32
      %sign3A_475 = arith.subi %sign3A_471, %sign3A_474 : i32
      %sign3A_476 = arith.constant 0 : i32
      %sign3A_477 = arith.cmpi sgt, %jit3A_467, %sign3A_476 : i32
      %sign3A_478 = arith.extui %sign3A_477 : i1 to i32
      %sign3A_479 = arith.constant 0 : i32
      %sign3A_480 = arith.cmpi slt, %jit3A_467, %sign3A_479 : i32
      %sign3A_481 = arith.extui %sign3A_480 : i1 to i32
      %sign3A_482 = arith.subi %sign3A_478, %sign3A_481 : i32
      %ne3A_483 = arith.cmpi ne, %sign3A_475, %sign3A_482 : i32
      %rem3A_484 = arith.remsi %add3A_466, %jit3A_467 : i32
      %ne3A_485 = arith.constant 0 : i32
      %ne3A_486 = arith.cmpi ne, %rem3A_484, %ne3A_485 : i32
      %and3A_487 = arith.andi %ne3A_483, %ne3A_486 : i1
      %sub3A_488 = arith.constant 1 : i32
      %sub3A_489 = arith.subi %div3A_468, %sub3A_488 : i32
      %select_n3A_490 = arith.select %and3A_487, %sub3A_489, %div3A_468 : i32
      %mul3A_491 = arith.constant 100 : i32
      %mul3A_492 = arith.muli %arg0, %mul3A_491 : i32
      %sub3A_493 = arith.subi %select_n3A_490, %mul3A_492 : i32
      %dma_start3A_494 = arith.constant 0 : i32
      %dma_start3A_495 = arith.constant 0 : i32
      %dma_start3A_496 = tpu.memref_slice %arg13[%dma_start3A_494, %dma_start3A_495] : memref<64x128xf32, #tpu.memory_space<vmem>> -> memref<32x128xf32, #tpu.memory_space<vmem>>
      %dma_start3A_497 = arith.constant 0 : i32
      %dma_start3A_498 = arith.constant 0 : i32
      %dma_start3A_499 = tpu.memref_slice %arg7[%sub3A_493, %dma_start3A_497, %dma_start3A_498] : memref<100x32x128xf32, #tpu.memory_space<vmem_shared>> -> memref<1x32x128xf32, #tpu.memory_space<vmem_shared>>
      %dma_start3A_500 = tpu.memref_squeeze %dma_start3A_499 : memref<1x32x128xf32, #tpu.memory_space<vmem_shared>> -> memref<32x128xf32, #tpu.memory_space<vmem_shared>>
      %dma_start3A_501 = arith.constant 0 : i32
      %dma_start3A_502 = arith.constant 0 : i32
      %dma_start3A_503 = tpu.memref_slice %arg13[%dma_start3A_501, %dma_start3A_502] : memref<64x128xf32, #tpu.memory_space<vmem>> -> memref<32x128xf32, #tpu.memory_space<vmem>>
      %dma_start3A_504 = arith.constant 0 : i32
      %dma_start3A_505 = arith.constant 0 : i32
      %dma_start3A_506 = tpu.memref_slice %arg7[%sub3A_493, %dma_start3A_504, %dma_start3A_505] : memref<100x32x128xf32, #tpu.memory_space<vmem_shared>> -> memref<1x32x128xf32, #tpu.memory_space<vmem_shared>>
      %dma_start3A_507 = tpu.memref_squeeze %dma_start3A_506 : memref<1x32x128xf32, #tpu.memory_space<vmem_shared>> -> memref<32x128xf32, #tpu.memory_space<vmem_shared>>
      tpu.enqueue_dma source(%dma_start3A_507 : memref<32x128xf32, #tpu.memory_space<vmem_shared>>) target(%dma_start3A_503 : memref<32x128xf32, #tpu.memory_space<vmem>>) target_semaphore(%arg29 : memref<!tpu.dma_semaphore, #tpu.memory_space<semaphore_mem>>)
      %dma_start3A_508 = arith.constant 32 : i32
      %dma_start3A_509 = arith.constant 0 : i32
      %dma_start3A_510 = tpu.memref_slice %arg13[%dma_start3A_508, %dma_start3A_509] : memref<64x128xf32, #tpu.memory_space<vmem>> -> memref<32x128xf32, #tpu.memory_space<vmem>>
      %dma_start3A_511 = arith.constant 0 : i32
      %dma_start3A_512 = arith.constant 0 : i32
      %dma_start3A_513 = tpu.memref_slice %arg7[%sub3A_493, %dma_start3A_511, %dma_start3A_512] : memref<100x32x128xf32, #tpu.memory_space<vmem_shared>> -> memref<1x32x128xf32, #tpu.memory_space<vmem_shared>>
      %dma_start3A_514 = tpu.memref_squeeze %dma_start3A_513 : memref<1x32x128xf32, #tpu.memory_space<vmem_shared>> -> memref<32x128xf32, #tpu.memory_space<vmem_shared>>
      %dma_start3A_515 = arith.constant 32 : i32
      %dma_start3A_516 = arith.constant 0 : i32
      %dma_start3A_517 = tpu.memref_slice %arg13[%dma_start3A_515, %dma_start3A_516] : memref<64x128xf32, #tpu.memory_space<vmem>> -> memref<32x128xf32, #tpu.memory_space<vmem>>
      %dma_start3A_518 = arith.constant 0 : i32
      %dma_start3A_519 = arith.constant 0 : i32
      %dma_start3A_520 = tpu.memref_slice %arg7[%sub3A_493, %dma_start3A_518, %dma_start3A_519] : memref<100x32x128xf32, #tpu.memory_space<vmem_shared>> -> memref<1x32x128xf32, #tpu.memory_space<vmem_shared>>
      %dma_start3A_521 = tpu.memref_squeeze %dma_start3A_520 : memref<1x32x128xf32, #tpu.memory_space<vmem_shared>> -> memref<32x128xf32, #tpu.memory_space<vmem_shared>>
      tpu.enqueue_dma source(%dma_start3A_521 : memref<32x128xf32, #tpu.memory_space<vmem_shared>>) target(%dma_start3A_517 : memref<32x128xf32, #tpu.memory_space<vmem>>) target_semaphore(%arg29 : memref<!tpu.dma_semaphore, #tpu.memory_space<semaphore_mem>>)
      %dma_wait3A_522 = arith.constant 0 : i32
      %dma_wait3A_523 = arith.constant 0 : i32
      %dma_wait3A_524 = tpu.memref_slice %arg13[%dma_wait3A_522, %dma_wait3A_523] : memref<64x128xf32, #tpu.memory_space<vmem>> -> memref<32x128xf32, #tpu.memory_space<vmem>>
      %dma_wait3A_525 = arith.constant 0 : i32
      %dma_wait3A_526 = arith.constant 0 : i32
      %dma_wait3A_527 = tpu.memref_slice %arg7[%sub3A_493, %dma_wait3A_525, %dma_wait3A_526] : memref<100x32x128xf32, #tpu.memory_space<vmem_shared>> -> memref<1x32x128xf32, #tpu.memory_space<vmem_shared>>
      %dma_wait3A_528 = tpu.memref_squeeze %dma_wait3A_527 : memref<1x32x128xf32, #tpu.memory_space<vmem_shared>> -> memref<32x128xf32, #tpu.memory_space<vmem_shared>>
      %dma_wait3A_529 = arith.constant 0 : i32
      %dma_wait3A_530 = arith.constant 0 : i32
      %dma_wait3A_531 = tpu.memref_slice %arg13[%dma_wait3A_529, %dma_wait3A_530] : memref<64x128xf32, #tpu.memory_space<vmem>> -> memref<32x128xf32, #tpu.memory_space<vmem>>
      %dma_wait3A_532 = arith.constant 0 : i32
      %dma_wait3A_533 = arith.constant 0 : i32
      %dma_wait3A_534 = tpu.memref_slice %arg7[%sub3A_493, %dma_wait3A_532, %dma_wait3A_533] : memref<100x32x128xf32, #tpu.memory_space<vmem_shared>> -> memref<1x32x128xf32, #tpu.memory_space<vmem_shared>>
      %dma_wait3A_535 = tpu.memref_squeeze %dma_wait3A_534 : memref<1x32x128xf32, #tpu.memory_space<vmem_shared>> -> memref<32x128xf32, #tpu.memory_space<vmem_shared>>
      tpu.wait_dma2 semaphore(%arg29 : memref<!tpu.dma_semaphore, #tpu.memory_space<semaphore_mem>>) src(%dma_wait3A_535 : memref<32x128xf32, #tpu.memory_space<vmem_shared>>) dst(%dma_wait3A_531 : memref<32x128xf32, #tpu.memory_space<vmem>>)
      %dma_wait3A_536 = arith.constant 32 : i32
      %dma_wait3A_537 = arith.constant 0 : i32
      %dma_wait3A_538 = tpu.memref_slice %arg13[%dma_wait3A_536, %dma_wait3A_537] : memref<64x128xf32, #tpu.memory_space<vmem>> -> memref<32x128xf32, #tpu.memory_space<vmem>>
      %dma_wait3A_539 = arith.constant 0 : i32
      %dma_wait3A_540 = arith.constant 0 : i32
      %dma_wait3A_541 = tpu.memref_slice %arg7[%sub3A_493, %dma_wait3A_539, %dma_wait3A_540] : memref<100x32x128xf32, #tpu.memory_space<vmem_shared>> -> memref<1x32x128xf32, #tpu.memory_space<vmem_shared>>
      %dma_wait3A_542 = tpu.memref_squeeze %dma_wait3A_541 : memref<1x32x128xf32, #tpu.memory_space<vmem_shared>> -> memref<32x128xf32, #tpu.memory_space<vmem_shared>>
      %dma_wait3A_543 = arith.constant 32 : i32
      %dma_wait3A_544 = arith.constant 0 : i32
      %dma_wait3A_545 = tpu.memref_slice %arg13[%dma_wait3A_543, %dma_wait3A_544] : memref<64x128xf32, #tpu.memory_space<vmem>> -> memref<32x128xf32, #tpu.memory_space<vmem>>
      %dma_wait3A_546 = arith.constant 0 : i32
      %dma_wait3A_547 = arith.constant 0 : i32
      %dma_wait3A_548 = tpu.memref_slice %arg7[%sub3A_493, %dma_wait3A_546, %dma_wait3A_547] : memref<100x32x128xf32, #tpu.memory_space<vmem_shared>> -> memref<1x32x128xf32, #tpu.memory_space<vmem_shared>>
      %dma_wait3A_549 = tpu.memref_squeeze %dma_wait3A_548 : memref<1x32x128xf32, #tpu.memory_space<vmem_shared>> -> memref<32x128xf32, #tpu.memory_space<vmem_shared>>
      tpu.wait_dma2 semaphore(%arg29 : memref<!tpu.dma_semaphore, #tpu.memory_space<semaphore_mem>>) src(%dma_wait3A_549 : memref<32x128xf32, #tpu.memory_space<vmem_shared>>) dst(%dma_wait3A_545 : memref<32x128xf32, #tpu.memory_space<vmem>>)
      %mul3A_550 = arith.constant 64 : i32
      %mul3A_551 = arith.muli %add3A_463, %mul3A_550 : i32
      %dma_start3A_552 = tpu.memref_slice %arg6[%mul3A_551] : memref<25600xi32, #tpu.memory_space<vmem>> -> memref<64xi32, #tpu.memory_space<vmem>>
      %dma_start3A_553 = arith.constant 0 : i32
      %dma_start3A_554 = arith.constant 0 : i32
      %dma_start3A_555 = tpu.memref_slice %arg2[%dma_start3A_553, %dma_start3A_554] : memref<1000000x128xf32, #tpu.memory_space<hbm>> -> memref<1000000x128xf32, #tpu.memory_space<hbm>>
      tpu.enqueue_indirect_dma source(%dma_start3A_555 : memref<1000000x128xf32, #tpu.memory_space<hbm>>) target(%arg13 : memref<64x128xf32, #tpu.memory_space<vmem>>) offsets(%dma_start3A_552 : memref<64xi32, #tpu.memory_space<vmem>>) semaphore(%arg21 : memref<!tpu.dma_semaphore, #tpu.memory_space<semaphore_mem>>) {add = true}
      %add3A_556 = arith.constant 4 : i32
      %add3A_557 = arith.addi %add3A_363, %add3A_556 : i32
      %add3A_558 = arith.constant 2 : i32
      %add3A_559 = arith.addi %add3A_557, %add3A_558 : i32
      %mul3A_560 = arith.constant 64 : i32
      %mul3A_561 = arith.muli %add3A_559, %mul3A_560 : i32
      %add3A_562 = arith.addi %mul3A_2, %mul3A_561 : i32
      %jit3A_563 = arith.constant 4096 : i32
      %div3A_564 = arith.divsi %add3A_562, %jit3A_563 : i32
      %sign3A_565 = arith.constant 0 : i32
      %sign3A_566 = arith.cmpi sgt, %add3A_562, %sign3A_565 : i32
      %sign3A_567 = arith.extui %sign3A_566 : i1 to i32
      %sign3A_568 = arith.constant 0 : i32
      %sign3A_569 = arith.cmpi slt, %add3A_562, %sign3A_568 : i32
      %sign3A_570 = arith.extui %sign3A_569 : i1 to i32
      %sign3A_571 = arith.subi %sign3A_567, %sign3A_570 : i32
      %sign3A_572 = arith.constant 0 : i32
      %sign3A_573 = arith.cmpi sgt, %jit3A_563, %sign3A_572 : i32
      %sign3A_574 = arith.extui %sign3A_573 : i1 to i32
      %sign3A_575 = arith.constant 0 : i32
      %sign3A_576 = arith.cmpi slt, %jit3A_563, %sign3A_575 : i32
      %sign3A_577 = arith.extui %sign3A_576 : i1 to i32
      %sign3A_578 = arith.subi %sign3A_574, %sign3A_577 : i32
      %ne3A_579 = arith.cmpi ne, %sign3A_571, %sign3A_578 : i32
      %rem3A_580 = arith.remsi %add3A_562, %jit3A_563 : i32
      %ne3A_581 = arith.constant 0 : i32
      %ne3A_582 = arith.cmpi ne, %rem3A_580, %ne3A_581 : i32
      %and3A_583 = arith.andi %ne3A_579, %ne3A_582 : i1
      %sub3A_584 = arith.constant 1 : i32
      %sub3A_585 = arith.subi %div3A_564, %sub3A_584 : i32
      %select_n3A_586 = arith.select %and3A_583, %sub3A_585, %div3A_564 : i32
      %mul3A_587 = arith.constant 100 : i32
      %mul3A_588 = arith.muli %arg0, %mul3A_587 : i32
      %sub3A_589 = arith.subi %select_n3A_586, %mul3A_588 : i32
      %dma_start3A_590 = arith.constant 0 : i32
      %dma_start3A_591 = arith.constant 0 : i32
      %dma_start3A_592 = tpu.memref_slice %arg14[%dma_start3A_590, %dma_start3A_591] : memref<64x128xf32, #tpu.memory_space<vmem>> -> memref<32x128xf32, #tpu.memory_space<vmem>>
      %dma_start3A_593 = arith.constant 0 : i32
      %dma_start3A_594 = arith.constant 0 : i32
      %dma_start3A_595 = tpu.memref_slice %arg7[%sub3A_589, %dma_start3A_593, %dma_start3A_594] : memref<100x32x128xf32, #tpu.memory_space<vmem_shared>> -> memref<1x32x128xf32, #tpu.memory_space<vmem_shared>>
      %dma_start3A_596 = tpu.memref_squeeze %dma_start3A_595 : memref<1x32x128xf32, #tpu.memory_space<vmem_shared>> -> memref<32x128xf32, #tpu.memory_space<vmem_shared>>
      %dma_start3A_597 = arith.constant 0 : i32
      %dma_start3A_598 = arith.constant 0 : i32
      %dma_start3A_599 = tpu.memref_slice %arg14[%dma_start3A_597, %dma_start3A_598] : memref<64x128xf32, #tpu.memory_space<vmem>> -> memref<32x128xf32, #tpu.memory_space<vmem>>
      %dma_start3A_600 = arith.constant 0 : i32
      %dma_start3A_601 = arith.constant 0 : i32
      %dma_start3A_602 = tpu.memref_slice %arg7[%sub3A_589, %dma_start3A_600, %dma_start3A_601] : memref<100x32x128xf32, #tpu.memory_space<vmem_shared>> -> memref<1x32x128xf32, #tpu.memory_space<vmem_shared>>
      %dma_start3A_603 = tpu.memref_squeeze %dma_start3A_602 : memref<1x32x128xf32, #tpu.memory_space<vmem_shared>> -> memref<32x128xf32, #tpu.memory_space<vmem_shared>>
      tpu.enqueue_dma source(%dma_start3A_603 : memref<32x128xf32, #tpu.memory_space<vmem_shared>>) target(%dma_start3A_599 : memref<32x128xf32, #tpu.memory_space<vmem>>) target_semaphore(%arg30 : memref<!tpu.dma_semaphore, #tpu.memory_space<semaphore_mem>>)
      %dma_start3A_604 = arith.constant 32 : i32
      %dma_start3A_605 = arith.constant 0 : i32
      %dma_start3A_606 = tpu.memref_slice %arg14[%dma_start3A_604, %dma_start3A_605] : memref<64x128xf32, #tpu.memory_space<vmem>> -> memref<32x128xf32, #tpu.memory_space<vmem>>
      %dma_start3A_607 = arith.constant 0 : i32
      %dma_start3A_608 = arith.constant 0 : i32
      %dma_start3A_609 = tpu.memref_slice %arg7[%sub3A_589, %dma_start3A_607, %dma_start3A_608] : memref<100x32x128xf32, #tpu.memory_space<vmem_shared>> -> memref<1x32x128xf32, #tpu.memory_space<vmem_shared>>
      %dma_start3A_610 = tpu.memref_squeeze %dma_start3A_609 : memref<1x32x128xf32, #tpu.memory_space<vmem_shared>> -> memref<32x128xf32, #tpu.memory_space<vmem_shared>>
      %dma_start3A_611 = arith.constant 32 : i32
      %dma_start3A_612 = arith.constant 0 : i32
      %dma_start3A_613 = tpu.memref_slice %arg14[%dma_start3A_611, %dma_start3A_612] : memref<64x128xf32, #tpu.memory_space<vmem>> -> memref<32x128xf32, #tpu.memory_space<vmem>>
      %dma_start3A_614 = arith.constant 0 : i32
      %dma_start3A_615 = arith.constant 0 : i32
      %dma_start3A_616 = tpu.memref_slice %arg7[%sub3A_589, %dma_start3A_614, %dma_start3A_615] : memref<100x32x128xf32, #tpu.memory_space<vmem_shared>> -> memref<1x32x128xf32, #tpu.memory_space<vmem_shared>>
      %dma_start3A_617 = tpu.memref_squeeze %dma_start3A_616 : memref<1x32x128xf32, #tpu.memory_space<vmem_shared>> -> memref<32x128xf32, #tpu.memory_space<vmem_shared>>
      tpu.enqueue_dma source(%dma_start3A_617 : memref<32x128xf32, #tpu.memory_space<vmem_shared>>) target(%dma_start3A_613 : memref<32x128xf32, #tpu.memory_space<vmem>>) target_semaphore(%arg30 : memref<!tpu.dma_semaphore, #tpu.memory_space<semaphore_mem>>)
      %dma_wait3A_618 = arith.constant 0 : i32
      %dma_wait3A_619 = arith.constant 0 : i32
      %dma_wait3A_620 = tpu.memref_slice %arg14[%dma_wait3A_618, %dma_wait3A_619] : memref<64x128xf32, #tpu.memory_space<vmem>> -> memref<32x128xf32, #tpu.memory_space<vmem>>
      %dma_wait3A_621 = arith.constant 0 : i32
      %dma_wait3A_622 = arith.constant 0 : i32
      %dma_wait3A_623 = tpu.memref_slice %arg7[%sub3A_589, %dma_wait3A_621, %dma_wait3A_622] : memref<100x32x128xf32, #tpu.memory_space<vmem_shared>> -> memref<1x32x128xf32, #tpu.memory_space<vmem_shared>>
      %dma_wait3A_624 = tpu.memref_squeeze %dma_wait3A_623 : memref<1x32x128xf32, #tpu.memory_space<vmem_shared>> -> memref<32x128xf32, #tpu.memory_space<vmem_shared>>
      %dma_wait3A_625 = arith.constant 0 : i32
      %dma_wait3A_626 = arith.constant 0 : i32
      %dma_wait3A_627 = tpu.memref_slice %arg14[%dma_wait3A_625, %dma_wait3A_626] : memref<64x128xf32, #tpu.memory_space<vmem>> -> memref<32x128xf32, #tpu.memory_space<vmem>>
      %dma_wait3A_628 = arith.constant 0 : i32
      %dma_wait3A_629 = arith.constant 0 : i32
      %dma_wait3A_630 = tpu.memref_slice %arg7[%sub3A_589, %dma_wait3A_628, %dma_wait3A_629] : memref<100x32x128xf32, #tpu.memory_space<vmem_shared>> -> memref<1x32x128xf32, #tpu.memory_space<vmem_shared>>
      %dma_wait3A_631 = tpu.memref_squeeze %dma_wait3A_630 : memref<1x32x128xf32, #tpu.memory_space<vmem_shared>> -> memref<32x128xf32, #tpu.memory_space<vmem_shared>>
      tpu.wait_dma2 semaphore(%arg30 : memref<!tpu.dma_semaphore, #tpu.memory_space<semaphore_mem>>) src(%dma_wait3A_631 : memref<32x128xf32, #tpu.memory_space<vmem_shared>>) dst(%dma_wait3A_627 : memref<32x128xf32, #tpu.memory_space<vmem>>)
      %dma_wait3A_632 = arith.constant 32 : i32
      %dma_wait3A_633 = arith.constant 0 : i32
      %dma_wait3A_634 = tpu.memref_slice %arg14[%dma_wait3A_632, %dma_wait3A_633] : memref<64x128xf32, #tpu.memory_space<vmem>> -> memref<32x128xf32, #tpu.memory_space<vmem>>
      %dma_wait3A_635 = arith.constant 0 : i32
      %dma_wait3A_636 = arith.constant 0 : i32
      %dma_wait3A_637 = tpu.memref_slice %arg7[%sub3A_589, %dma_wait3A_635, %dma_wait3A_636] : memref<100x32x128xf32, #tpu.memory_space<vmem_shared>> -> memref<1x32x128xf32, #tpu.memory_space<vmem_shared>>
      %dma_wait3A_638 = tpu.memref_squeeze %dma_wait3A_637 : memref<1x32x128xf32, #tpu.memory_space<vmem_shared>> -> memref<32x128xf32, #tpu.memory_space<vmem_shared>>
      %dma_wait3A_639 = arith.constant 32 : i32
      %dma_wait3A_640 = arith.constant 0 : i32
      %dma_wait3A_641 = tpu.memref_slice %arg14[%dma_wait3A_639, %dma_wait3A_640] : memref<64x128xf32, #tpu.memory_space<vmem>> -> memref<32x128xf32, #tpu.memory_space<vmem>>
      %dma_wait3A_642 = arith.constant 0 : i32
      %dma_wait3A_643 = arith.constant 0 : i32
      %dma_wait3A_644 = tpu.memref_slice %arg7[%sub3A_589, %dma_wait3A_642, %dma_wait3A_643] : memref<100x32x128xf32, #tpu.memory_space<vmem_shared>> -> memref<1x32x128xf32, #tpu.memory_space<vmem_shared>>
      %dma_wait3A_645 = tpu.memref_squeeze %dma_wait3A_644 : memref<1x32x128xf32, #tpu.memory_space<vmem_shared>> -> memref<32x128xf32, #tpu.memory_space<vmem_shared>>
      tpu.wait_dma2 semaphore(%arg30 : memref<!tpu.dma_semaphore, #tpu.memory_space<semaphore_mem>>) src(%dma_wait3A_645 : memref<32x128xf32, #tpu.memory_space<vmem_shared>>) dst(%dma_wait3A_641 : memref<32x128xf32, #tpu.memory_space<vmem>>)
      %mul3A_646 = arith.constant 64 : i32
      %mul3A_647 = arith.muli %add3A_559, %mul3A_646 : i32
      %dma_start3A_648 = tpu.memref_slice %arg6[%mul3A_647] : memref<25600xi32, #tpu.memory_space<vmem>> -> memref<64xi32, #tpu.memory_space<vmem>>
      %dma_start3A_649 = arith.constant 0 : i32
      %dma_start3A_650 = arith.constant 0 : i32
      %dma_start3A_651 = tpu.memref_slice %arg2[%dma_start3A_649, %dma_start3A_650] : memref<1000000x128xf32, #tpu.memory_space<hbm>> -> memref<1000000x128xf32, #tpu.memory_space<hbm>>
      tpu.enqueue_indirect_dma source(%dma_start3A_651 : memref<1000000x128xf32, #tpu.memory_space<hbm>>) target(%arg14 : memref<64x128xf32, #tpu.memory_space<vmem>>) offsets(%dma_start3A_648 : memref<64xi32, #tpu.memory_space<vmem>>) semaphore(%arg22 : memref<!tpu.dma_semaphore, #tpu.memory_space<semaphore_mem>>) {add = true}
      %add3A_652 = arith.constant 4 : i32
      %add3A_653 = arith.addi %add3A_363, %add3A_652 : i32
      %add3A_654 = arith.constant 3 : i32
      %add3A_655 = arith.addi %add3A_653, %add3A_654 : i32
      %mul3A_656 = arith.constant 64 : i32
      %mul3A_657 = arith.muli %add3A_655, %mul3A_656 : i32
      %add3A_658 = arith.addi %mul3A_2, %mul3A_657 : i32
      %jit3A_659 = arith.constant 4096 : i32
      %div3A_660 = arith.divsi %add3A_658, %jit3A_659 : i32
      %sign3A_661 = arith.constant 0 : i32
      %sign3A_662 = arith.cmpi sgt, %add3A_658, %sign3A_661 : i32
      %sign3A_663 = arith.extui %sign3A_662 : i1 to i32
      %sign3A_664 = arith.constant 0 : i32
      %sign3A_665 = arith.cmpi slt, %add3A_658, %sign3A_664 : i32
      %sign3A_666 = arith.extui %sign3A_665 : i1 to i32
      %sign3A_667 = arith.subi %sign3A_663, %sign3A_666 : i32
      %sign3A_668 = arith.constant 0 : i32
      %sign3A_669 = arith.cmpi sgt, %jit3A_659, %sign3A_668 : i32
      %sign3A_670 = arith.extui %sign3A_669 : i1 to i32
      %sign3A_671 = arith.constant 0 : i32
      %sign3A_672 = arith.cmpi slt, %jit3A_659, %sign3A_671 : i32
      %sign3A_673 = arith.extui %sign3A_672 : i1 to i32
      %sign3A_674 = arith.subi %sign3A_670, %sign3A_673 : i32
      %ne3A_675 = arith.cmpi ne, %sign3A_667, %sign3A_674 : i32
      %rem3A_676 = arith.remsi %add3A_658, %jit3A_659 : i32
      %ne3A_677 = arith.constant 0 : i32
      %ne3A_678 = arith.cmpi ne, %rem3A_676, %ne3A_677 : i32
      %and3A_679 = arith.andi %ne3A_675, %ne3A_678 : i1
      %sub3A_680 = arith.constant 1 : i32
      %sub3A_681 = arith.subi %div3A_660, %sub3A_680 : i32
      %select_n3A_682 = arith.select %and3A_679, %sub3A_681, %div3A_660 : i32
      %mul3A_683 = arith.constant 100 : i32
      %mul3A_684 = arith.muli %arg0, %mul3A_683 : i32
      %sub3A_685 = arith.subi %select_n3A_682, %mul3A_684 : i32
      %dma_start3A_686 = arith.constant 0 : i32
      %dma_start3A_687 = arith.constant 0 : i32
      %dma_start3A_688 = tpu.memref_slice %arg15[%dma_start3A_686, %dma_start3A_687] : memref<64x128xf32, #tpu.memory_space<vmem>> -> memref<32x128xf32, #tpu.memory_space<vmem>>
      %dma_start3A_689 = arith.constant 0 : i32
      %dma_start3A_690 = arith.constant 0 : i32
      %dma_start3A_691 = tpu.memref_slice %arg7[%sub3A_685, %dma_start3A_689, %dma_start3A_690] : memref<100x32x128xf32, #tpu.memory_space<vmem_shared>> -> memref<1x32x128xf32, #tpu.memory_space<vmem_shared>>
      %dma_start3A_692 = tpu.memref_squeeze %dma_start3A_691 : memref<1x32x128xf32, #tpu.memory_space<vmem_shared>> -> memref<32x128xf32, #tpu.memory_space<vmem_shared>>
      %dma_start3A_693 = arith.constant 0 : i32
      %dma_start3A_694 = arith.constant 0 : i32
      %dma_start3A_695 = tpu.memref_slice %arg15[%dma_start3A_693, %dma_start3A_694] : memref<64x128xf32, #tpu.memory_space<vmem>> -> memref<32x128xf32, #tpu.memory_space<vmem>>
      %dma_start3A_696 = arith.constant 0 : i32
      %dma_start3A_697 = arith.constant 0 : i32
      %dma_start3A_698 = tpu.memref_slice %arg7[%sub3A_685, %dma_start3A_696, %dma_start3A_697] : memref<100x32x128xf32, #tpu.memory_space<vmem_shared>> -> memref<1x32x128xf32, #tpu.memory_space<vmem_shared>>
      %dma_start3A_699 = tpu.memref_squeeze %dma_start3A_698 : memref<1x32x128xf32, #tpu.memory_space<vmem_shared>> -> memref<32x128xf32, #tpu.memory_space<vmem_shared>>
      tpu.enqueue_dma source(%dma_start3A_699 : memref<32x128xf32, #tpu.memory_space<vmem_shared>>) target(%dma_start3A_695 : memref<32x128xf32, #tpu.memory_space<vmem>>) target_semaphore(%arg31 : memref<!tpu.dma_semaphore, #tpu.memory_space<semaphore_mem>>)
      %dma_start3A_700 = arith.constant 32 : i32
      %dma_start3A_701 = arith.constant 0 : i32
      %dma_start3A_702 = tpu.memref_slice %arg15[%dma_start3A_700, %dma_start3A_701] : memref<64x128xf32, #tpu.memory_space<vmem>> -> memref<32x128xf32, #tpu.memory_space<vmem>>
      %dma_start3A_703 = arith.constant 0 : i32
      %dma_start3A_704 = arith.constant 0 : i32
      %dma_start3A_705 = tpu.memref_slice %arg7[%sub3A_685, %dma_start3A_703, %dma_start3A_704] : memref<100x32x128xf32, #tpu.memory_space<vmem_shared>> -> memref<1x32x128xf32, #tpu.memory_space<vmem_shared>>
      %dma_start3A_706 = tpu.memref_squeeze %dma_start3A_705 : memref<1x32x128xf32, #tpu.memory_space<vmem_shared>> -> memref<32x128xf32, #tpu.memory_space<vmem_shared>>
      %dma_start3A_707 = arith.constant 32 : i32
      %dma_start3A_708 = arith.constant 0 : i32
      %dma_start3A_709 = tpu.memref_slice %arg15[%dma_start3A_707, %dma_start3A_708] : memref<64x128xf32, #tpu.memory_space<vmem>> -> memref<32x128xf32, #tpu.memory_space<vmem>>
      %dma_start3A_710 = arith.constant 0 : i32
      %dma_start3A_711 = arith.constant 0 : i32
      %dma_start3A_712 = tpu.memref_slice %arg7[%sub3A_685, %dma_start3A_710, %dma_start3A_711] : memref<100x32x128xf32, #tpu.memory_space<vmem_shared>> -> memref<1x32x128xf32, #tpu.memory_space<vmem_shared>>
      %dma_start3A_713 = tpu.memref_squeeze %dma_start3A_712 : memref<1x32x128xf32, #tpu.memory_space<vmem_shared>> -> memref<32x128xf32, #tpu.memory_space<vmem_shared>>
      tpu.enqueue_dma source(%dma_start3A_713 : memref<32x128xf32, #tpu.memory_space<vmem_shared>>) target(%dma_start3A_709 : memref<32x128xf32, #tpu.memory_space<vmem>>) target_semaphore(%arg31 : memref<!tpu.dma_semaphore, #tpu.memory_space<semaphore_mem>>)
      %dma_wait3A_714 = arith.constant 0 : i32
      %dma_wait3A_715 = arith.constant 0 : i32
      %dma_wait3A_716 = tpu.memref_slice %arg15[%dma_wait3A_714, %dma_wait3A_715] : memref<64x128xf32, #tpu.memory_space<vmem>> -> memref<32x128xf32, #tpu.memory_space<vmem>>
      %dma_wait3A_717 = arith.constant 0 : i32
      %dma_wait3A_718 = arith.constant 0 : i32
      %dma_wait3A_719 = tpu.memref_slice %arg7[%sub3A_685, %dma_wait3A_717, %dma_wait3A_718] : memref<100x32x128xf32, #tpu.memory_space<vmem_shared>> -> memref<1x32x128xf32, #tpu.memory_space<vmem_shared>>
      %dma_wait3A_720 = tpu.memref_squeeze %dma_wait3A_719 : memref<1x32x128xf32, #tpu.memory_space<vmem_shared>> -> memref<32x128xf32, #tpu.memory_space<vmem_shared>>
      %dma_wait3A_721 = arith.constant 0 : i32
      %dma_wait3A_722 = arith.constant 0 : i32
      %dma_wait3A_723 = tpu.memref_slice %arg15[%dma_wait3A_721, %dma_wait3A_722] : memref<64x128xf32, #tpu.memory_space<vmem>> -> memref<32x128xf32, #tpu.memory_space<vmem>>
      %dma_wait3A_724 = arith.constant 0 : i32
      %dma_wait3A_725 = arith.constant 0 : i32
      %dma_wait3A_726 = tpu.memref_slice %arg7[%sub3A_685, %dma_wait3A_724, %dma_wait3A_725] : memref<100x32x128xf32, #tpu.memory_space<vmem_shared>> -> memref<1x32x128xf32, #tpu.memory_space<vmem_shared>>
      %dma_wait3A_727 = tpu.memref_squeeze %dma_wait3A_726 : memref<1x32x128xf32, #tpu.memory_space<vmem_shared>> -> memref<32x128xf32, #tpu.memory_space<vmem_shared>>
      tpu.wait_dma2 semaphore(%arg31 : memref<!tpu.dma_semaphore, #tpu.memory_space<semaphore_mem>>) src(%dma_wait3A_727 : memref<32x128xf32, #tpu.memory_space<vmem_shared>>) dst(%dma_wait3A_723 : memref<32x128xf32, #tpu.memory_space<vmem>>)
      %dma_wait3A_728 = arith.constant 32 : i32
      %dma_wait3A_729 = arith.constant 0 : i32
      %dma_wait3A_730 = tpu.memref_slice %arg15[%dma_wait3A_728, %dma_wait3A_729] : memref<64x128xf32, #tpu.memory_space<vmem>> -> memref<32x128xf32, #tpu.memory_space<vmem>>
      %dma_wait3A_731 = arith.constant 0 : i32
      %dma_wait3A_732 = arith.constant 0 : i32
      %dma_wait3A_733 = tpu.memref_slice %arg7[%sub3A_685, %dma_wait3A_731, %dma_wait3A_732] : memref<100x32x128xf32, #tpu.memory_space<vmem_shared>> -> memref<1x32x128xf32, #tpu.memory_space<vmem_shared>>
      %dma_wait3A_734 = tpu.memref_squeeze %dma_wait3A_733 : memref<1x32x128xf32, #tpu.memory_space<vmem_shared>> -> memref<32x128xf32, #tpu.memory_space<vmem_shared>>
      %dma_wait3A_735 = arith.constant 32 : i32
      %dma_wait3A_736 = arith.constant 0 : i32
      %dma_wait3A_737 = tpu.memref_slice %arg15[%dma_wait3A_735, %dma_wait3A_736] : memref<64x128xf32, #tpu.memory_space<vmem>> -> memref<32x128xf32, #tpu.memory_space<vmem>>
      %dma_wait3A_738 = arith.constant 0 : i32
      %dma_wait3A_739 = arith.constant 0 : i32
      %dma_wait3A_740 = tpu.memref_slice %arg7[%sub3A_685, %dma_wait3A_738, %dma_wait3A_739] : memref<100x32x128xf32, #tpu.memory_space<vmem_shared>> -> memref<1x32x128xf32, #tpu.memory_space<vmem_shared>>
      %dma_wait3A_741 = tpu.memref_squeeze %dma_wait3A_740 : memref<1x32x128xf32, #tpu.memory_space<vmem_shared>> -> memref<32x128xf32, #tpu.memory_space<vmem_shared>>
      tpu.wait_dma2 semaphore(%arg31 : memref<!tpu.dma_semaphore, #tpu.memory_space<semaphore_mem>>) src(%dma_wait3A_741 : memref<32x128xf32, #tpu.memory_space<vmem_shared>>) dst(%dma_wait3A_737 : memref<32x128xf32, #tpu.memory_space<vmem>>)
      %mul3A_742 = arith.constant 64 : i32
      %mul3A_743 = arith.muli %add3A_655, %mul3A_742 : i32
      %dma_start3A_744 = tpu.memref_slice %arg6[%mul3A_743] : memref<25600xi32, #tpu.memory_space<vmem>> -> memref<64xi32, #tpu.memory_space<vmem>>
      %dma_start3A_745 = arith.constant 0 : i32
      %dma_start3A_746 = arith.constant 0 : i32
      %dma_start3A_747 = tpu.memref_slice %arg2[%dma_start3A_745, %dma_start3A_746] : memref<1000000x128xf32, #tpu.memory_space<hbm>> -> memref<1000000x128xf32, #tpu.memory_space<hbm>>
      tpu.enqueue_indirect_dma source(%dma_start3A_747 : memref<1000000x128xf32, #tpu.memory_space<hbm>>) target(%arg15 : memref<64x128xf32, #tpu.memory_space<vmem>>) offsets(%dma_start3A_744 : memref<64xi32, #tpu.memory_space<vmem>>) semaphore(%arg23 : memref<!tpu.dma_semaphore, #tpu.memory_space<semaphore_mem>>) {add = true}
      %dma_wait3A_748 = arith.constant 0 : i32
      %dma_wait3A_749 = arith.constant 0 : i32
      %dma_wait3A_750 = tpu.memref_slice %arg5[%dma_wait3A_748, %dma_wait3A_749] : memref<819200x128xf32, #tpu.memory_space<hbm>> -> memref<64x128xf32, #tpu.memory_space<hbm>>
      %dma_wait3A_751 = arith.constant 0 : i32
      %dma_wait3A_752 = arith.constant 0 : i32
      %dma_wait3A_753 = tpu.memref_slice %arg5[%dma_wait3A_751, %dma_wait3A_752] : memref<819200x128xf32, #tpu.memory_space<hbm>> -> memref<64x128xf32, #tpu.memory_space<hbm>>
      tpu.wait_dma2 semaphore(%arg16 : memref<!tpu.dma_semaphore, #tpu.memory_space<semaphore_mem>>) src(%dma_wait3A_753 : memref<64x128xf32, #tpu.memory_space<hbm>>) dst(%arg8 : memref<64x128xf32, #tpu.memory_space<vmem>>)
      %dma_wait3A_754 = arith.constant 0 : i32
      %dma_wait3A_755 = arith.constant 0 : i32
      %dma_wait3A_756 = tpu.memref_slice %arg5[%dma_wait3A_754, %dma_wait3A_755] : memref<819200x128xf32, #tpu.memory_space<hbm>> -> memref<64x128xf32, #tpu.memory_space<hbm>>
      %dma_wait3A_757 = arith.constant 0 : i32
      %dma_wait3A_758 = arith.constant 0 : i32
      %dma_wait3A_759 = tpu.memref_slice %arg5[%dma_wait3A_757, %dma_wait3A_758] : memref<819200x128xf32, #tpu.memory_space<hbm>> -> memref<64x128xf32, #tpu.memory_space<hbm>>
      tpu.wait_dma2 semaphore(%arg17 : memref<!tpu.dma_semaphore, #tpu.memory_space<semaphore_mem>>) src(%dma_wait3A_759 : memref<64x128xf32, #tpu.memory_space<hbm>>) dst(%arg9 : memref<64x128xf32, #tpu.memory_space<vmem>>)
      %dma_wait3A_760 = arith.constant 0 : i32
      %dma_wait3A_761 = arith.constant 0 : i32
      %dma_wait3A_762 = tpu.memref_slice %arg5[%dma_wait3A_760, %dma_wait3A_761] : memref<819200x128xf32, #tpu.memory_space<hbm>> -> memref<64x128xf32, #tpu.memory_space<hbm>>
      %dma_wait3A_763 = arith.constant 0 : i32
      %dma_wait3A_764 = arith.constant 0 : i32
      %dma_wait3A_765 = tpu.memref_slice %arg5[%dma_wait3A_763, %dma_wait3A_764] : memref<819200x128xf32, #tpu.memory_space<hbm>> -> memref<64x128xf32, #tpu.memory_space<hbm>>
      tpu.wait_dma2 semaphore(%arg18 : memref<!tpu.dma_semaphore, #tpu.memory_space<semaphore_mem>>) src(%dma_wait3A_765 : memref<64x128xf32, #tpu.memory_space<hbm>>) dst(%arg10 : memref<64x128xf32, #tpu.memory_space<vmem>>)
      %dma_wait3A_766 = arith.constant 0 : i32
      %dma_wait3A_767 = arith.constant 0 : i32
      %dma_wait3A_768 = tpu.memref_slice %arg5[%dma_wait3A_766, %dma_wait3A_767] : memref<819200x128xf32, #tpu.memory_space<hbm>> -> memref<64x128xf32, #tpu.memory_space<hbm>>
      %dma_wait3A_769 = arith.constant 0 : i32
      %dma_wait3A_770 = arith.constant 0 : i32
      %dma_wait3A_771 = tpu.memref_slice %arg5[%dma_wait3A_769, %dma_wait3A_770] : memref<819200x128xf32, #tpu.memory_space<hbm>> -> memref<64x128xf32, #tpu.memory_space<hbm>>
      tpu.wait_dma2 semaphore(%arg19 : memref<!tpu.dma_semaphore, #tpu.memory_space<semaphore_mem>>) src(%dma_wait3A_771 : memref<64x128xf32, #tpu.memory_space<hbm>>) dst(%arg11 : memref<64x128xf32, #tpu.memory_space<vmem>>)
      %add3A_772 = arith.constant 0 : i32
      %add3A_773 = arith.addi %add3A_363, %add3A_772 : i32
      %mul3A_774 = arith.constant 64 : i32
      %mul3A_775 = arith.muli %add3A_773, %mul3A_774 : i32
      %add3A_776 = arith.addi %mul3A_2, %mul3A_775 : i32
      %dma_start3A_777 = arith.constant 0 : i32
      %dma_start3A_778 = tpu.memref_slice %arg5[%add3A_776, %dma_start3A_777] : memref<819200x128xf32, #tpu.memory_space<hbm>> -> memref<64x128xf32, #tpu.memory_space<hbm>>
      %dma_start3A_779 = arith.constant 0 : i32
      %dma_start3A_780 = tpu.memref_slice %arg5[%add3A_776, %dma_start3A_779] : memref<819200x128xf32, #tpu.memory_space<hbm>> -> memref<64x128xf32, #tpu.memory_space<hbm>>
      tpu.enqueue_dma source(%arg8 : memref<64x128xf32, #tpu.memory_space<vmem>>) target(%dma_start3A_780 : memref<64x128xf32, #tpu.memory_space<hbm>>) target_semaphore(%arg24 : memref<!tpu.dma_semaphore, #tpu.memory_space<semaphore_mem>>)
      %add3A_781 = arith.constant 1 : i32
      %add3A_782 = arith.addi %add3A_363, %add3A_781 : i32
      %mul3A_783 = arith.constant 64 : i32
      %mul3A_784 = arith.muli %add3A_782, %mul3A_783 : i32
      %add3A_785 = arith.addi %mul3A_2, %mul3A_784 : i32
      %dma_start3A_786 = arith.constant 0 : i32
      %dma_start3A_787 = tpu.memref_slice %arg5[%add3A_785, %dma_start3A_786] : memref<819200x128xf32, #tpu.memory_space<hbm>> -> memref<64x128xf32, #tpu.memory_space<hbm>>
      %dma_start3A_788 = arith.constant 0 : i32
      %dma_start3A_789 = tpu.memref_slice %arg5[%add3A_785, %dma_start3A_788] : memref<819200x128xf32, #tpu.memory_space<hbm>> -> memref<64x128xf32, #tpu.memory_space<hbm>>
      tpu.enqueue_dma source(%arg9 : memref<64x128xf32, #tpu.memory_space<vmem>>) target(%dma_start3A_789 : memref<64x128xf32, #tpu.memory_space<hbm>>) target_semaphore(%arg25 : memref<!tpu.dma_semaphore, #tpu.memory_space<semaphore_mem>>)
      %add3A_790 = arith.constant 2 : i32
      %add3A_791 = arith.addi %add3A_363, %add3A_790 : i32
      %mul3A_792 = arith.constant 64 : i32
      %mul3A_793 = arith.muli %add3A_791, %mul3A_792 : i32
      %add3A_794 = arith.addi %mul3A_2, %mul3A_793 : i32
      %dma_start3A_795 = arith.constant 0 : i32
      %dma_start3A_796 = tpu.memref_slice %arg5[%add3A_794, %dma_start3A_795] : memref<819200x128xf32, #tpu.memory_space<hbm>> -> memref<64x128xf32, #tpu.memory_space<hbm>>
      %dma_start3A_797 = arith.constant 0 : i32
      %dma_start3A_798 = tpu.memref_slice %arg5[%add3A_794, %dma_start3A_797] : memref<819200x128xf32, #tpu.memory_space<hbm>> -> memref<64x128xf32, #tpu.memory_space<hbm>>
      tpu.enqueue_dma source(%arg10 : memref<64x128xf32, #tpu.memory_space<vmem>>) target(%dma_start3A_798 : memref<64x128xf32, #tpu.memory_space<hbm>>) target_semaphore(%arg26 : memref<!tpu.dma_semaphore, #tpu.memory_space<semaphore_mem>>)
      %add3A_799 = arith.constant 3 : i32
      %add3A_800 = arith.addi %add3A_363, %add3A_799 : i32
      %mul3A_801 = arith.constant 64 : i32
      %mul3A_802 = arith.muli %add3A_800, %mul3A_801 : i32
      %add3A_803 = arith.addi %mul3A_2, %mul3A_802 : i32
      %dma_start3A_804 = arith.constant 0 : i32
      %dma_start3A_805 = tpu.memref_slice %arg5[%add3A_803, %dma_start3A_804] : memref<819200x128xf32, #tpu.memory_space<hbm>> -> memref<64x128xf32, #tpu.memory_space<hbm>>
      %dma_start3A_806 = arith.constant 0 : i32
      %dma_start3A_807 = tpu.memref_slice %arg5[%add3A_803, %dma_start3A_806] : memref<819200x128xf32, #tpu.memory_space<hbm>> -> memref<64x128xf32, #tpu.memory_space<hbm>>
      tpu.enqueue_dma source(%arg11 : memref<64x128xf32, #tpu.memory_space<vmem>>) target(%dma_start3A_807 : memref<64x128xf32, #tpu.memory_space<hbm>>) target_semaphore(%arg27 : memref<!tpu.dma_semaphore, #tpu.memory_space<semaphore_mem>>)
      %dma_wait3A_808 = arith.constant 0 : i32
      %dma_wait3A_809 = tpu.memref_slice %arg5[%add3A_776, %dma_wait3A_808] : memref<819200x128xf32, #tpu.memory_space<hbm>> -> memref<64x128xf32, #tpu.memory_space<hbm>>
      %dma_wait3A_810 = arith.constant 0 : i32
      %dma_wait3A_811 = tpu.memref_slice %arg5[%add3A_776, %dma_wait3A_810] : memref<819200x128xf32, #tpu.memory_space<hbm>> -> memref<64x128xf32, #tpu.memory_space<hbm>>
      tpu.wait_dma2 semaphore(%arg24 : memref<!tpu.dma_semaphore, #tpu.memory_space<semaphore_mem>>) src(%arg8 : memref<64x128xf32, #tpu.memory_space<vmem>>) dst(%dma_wait3A_811 : memref<64x128xf32, #tpu.memory_space<hbm>>)
      %dma_wait3A_812 = arith.constant 0 : i32
      %dma_wait3A_813 = tpu.memref_slice %arg5[%add3A_785, %dma_wait3A_812] : memref<819200x128xf32, #tpu.memory_space<hbm>> -> memref<64x128xf32, #tpu.memory_space<hbm>>
      %dma_wait3A_814 = arith.constant 0 : i32
      %dma_wait3A_815 = tpu.memref_slice %arg5[%add3A_785, %dma_wait3A_814] : memref<819200x128xf32, #tpu.memory_space<hbm>> -> memref<64x128xf32, #tpu.memory_space<hbm>>
      tpu.wait_dma2 semaphore(%arg25 : memref<!tpu.dma_semaphore, #tpu.memory_space<semaphore_mem>>) src(%arg9 : memref<64x128xf32, #tpu.memory_space<vmem>>) dst(%dma_wait3A_815 : memref<64x128xf32, #tpu.memory_space<hbm>>)
      %dma_wait3A_816 = arith.constant 0 : i32
      %dma_wait3A_817 = tpu.memref_slice %arg5[%add3A_794, %dma_wait3A_816] : memref<819200x128xf32, #tpu.memory_space<hbm>> -> memref<64x128xf32, #tpu.memory_space<hbm>>
      %dma_wait3A_818 = arith.constant 0 : i32
      %dma_wait3A_819 = tpu.memref_slice %arg5[%add3A_794, %dma_wait3A_818] : memref<819200x128xf32, #tpu.memory_space<hbm>> -> memref<64x128xf32, #tpu.memory_space<hbm>>
      tpu.wait_dma2 semaphore(%arg26 : memref<!tpu.dma_semaphore, #tpu.memory_space<semaphore_mem>>) src(%arg10 : memref<64x128xf32, #tpu.memory_space<vmem>>) dst(%dma_wait3A_819 : memref<64x128xf32, #tpu.memory_space<hbm>>)
      %dma_wait3A_820 = arith.constant 0 : i32
      %dma_wait3A_821 = tpu.memref_slice %arg5[%add3A_803, %dma_wait3A_820] : memref<819200x128xf32, #tpu.memory_space<hbm>> -> memref<64x128xf32, #tpu.memory_space<hbm>>
      %dma_wait3A_822 = arith.constant 0 : i32
      %dma_wait3A_823 = tpu.memref_slice %arg5[%add3A_803, %dma_wait3A_822] : memref<819200x128xf32, #tpu.memory_space<hbm>> -> memref<64x128xf32, #tpu.memory_space<hbm>>
      tpu.wait_dma2 semaphore(%arg27 : memref<!tpu.dma_semaphore, #tpu.memory_space<semaphore_mem>>) src(%arg11 : memref<64x128xf32, #tpu.memory_space<vmem>>) dst(%dma_wait3A_823 : memref<64x128xf32, #tpu.memory_space<hbm>>)
      %add3A_824 = arith.constant 8 : i32
      %add3A_825 = arith.addi %add3A_363, %add3A_824 : i32
      %add3A_826 = arith.constant 0 : i32
      %add3A_827 = arith.addi %add3A_825, %add3A_826 : i32
      %lt3A = arith.constant 400 : i32
      %lt3A_828 = arith.cmpi slt, %add3A_827, %lt3A : i32
      %convert_element_type3A_829 = arith.extui %lt3A_828 : i1 to i32
      %cond3A_830 = arith.constant 0 : i32
      %cond3A_831 = arith.cmpi ne, %convert_element_type3A_829, %cond3A_830 : i32
      scf.if %cond3A_831 {
        %mul3A_943 = arith.constant 64 : i32
        %mul3A_944 = arith.muli %add3A_827, %mul3A_943 : i32
        %add3A_945 = arith.addi %mul3A_2, %mul3A_944 : i32
        %jit3A_946 = arith.constant 4096 : i32
        %div3A_947 = arith.divsi %add3A_945, %jit3A_946 : i32
        %sign3A_948 = arith.constant 0 : i32
        %sign3A_949 = arith.cmpi sgt, %add3A_945, %sign3A_948 : i32
        %sign3A_950 = arith.extui %sign3A_949 : i1 to i32
        %sign3A_951 = arith.constant 0 : i32
        %sign3A_952 = arith.cmpi slt, %add3A_945, %sign3A_951 : i32
        %sign3A_953 = arith.extui %sign3A_952 : i1 to i32
        %sign3A_954 = arith.subi %sign3A_950, %sign3A_953 : i32
        %sign3A_955 = arith.constant 0 : i32
        %sign3A_956 = arith.cmpi sgt, %jit3A_946, %sign3A_955 : i32
        %sign3A_957 = arith.extui %sign3A_956 : i1 to i32
        %sign3A_958 = arith.constant 0 : i32
        %sign3A_959 = arith.cmpi slt, %jit3A_946, %sign3A_958 : i32
        %sign3A_960 = arith.extui %sign3A_959 : i1 to i32
        %sign3A_961 = arith.subi %sign3A_957, %sign3A_960 : i32
        %ne3A_962 = arith.cmpi ne, %sign3A_954, %sign3A_961 : i32
        %rem3A_963 = arith.remsi %add3A_945, %jit3A_946 : i32
        %ne3A_964 = arith.constant 0 : i32
        %ne3A_965 = arith.cmpi ne, %rem3A_963, %ne3A_964 : i32
        %and3A_966 = arith.andi %ne3A_962, %ne3A_965 : i1
        %sub3A_967 = arith.constant 1 : i32
        %sub3A_968 = arith.subi %div3A_947, %sub3A_967 : i32
        %select_n3A_969 = arith.select %and3A_966, %sub3A_968, %div3A_947 : i32
        %mul3A_970 = arith.constant 100 : i32
        %mul3A_971 = arith.muli %arg0, %mul3A_970 : i32
        %sub3A_972 = arith.subi %select_n3A_969, %mul3A_971 : i32
        %dma_start3A_973 = arith.constant 0 : i32
        %dma_start3A_974 = arith.constant 0 : i32
        %dma_start3A_975 = tpu.memref_slice %arg8[%dma_start3A_973, %dma_start3A_974] : memref<64x128xf32, #tpu.memory_space<vmem>> -> memref<32x128xf32, #tpu.memory_space<vmem>>
        %dma_start3A_976 = arith.constant 0 : i32
        %dma_start3A_977 = arith.constant 0 : i32
        %dma_start3A_978 = tpu.memref_slice %arg7[%sub3A_972, %dma_start3A_976, %dma_start3A_977] : memref<100x32x128xf32, #tpu.memory_space<vmem_shared>> -> memref<1x32x128xf32, #tpu.memory_space<vmem_shared>>
        %dma_start3A_979 = tpu.memref_squeeze %dma_start3A_978 : memref<1x32x128xf32, #tpu.memory_space<vmem_shared>> -> memref<32x128xf32, #tpu.memory_space<vmem_shared>>
        %dma_start3A_980 = arith.constant 0 : i32
        %dma_start3A_981 = arith.constant 0 : i32
        %dma_start3A_982 = tpu.memref_slice %arg8[%dma_start3A_980, %dma_start3A_981] : memref<64x128xf32, #tpu.memory_space<vmem>> -> memref<32x128xf32, #tpu.memory_space<vmem>>
        %dma_start3A_983 = arith.constant 0 : i32
        %dma_start3A_984 = arith.constant 0 : i32
        %dma_start3A_985 = tpu.memref_slice %arg7[%sub3A_972, %dma_start3A_983, %dma_start3A_984] : memref<100x32x128xf32, #tpu.memory_space<vmem_shared>> -> memref<1x32x128xf32, #tpu.memory_space<vmem_shared>>
        %dma_start3A_986 = tpu.memref_squeeze %dma_start3A_985 : memref<1x32x128xf32, #tpu.memory_space<vmem_shared>> -> memref<32x128xf32, #tpu.memory_space<vmem_shared>>
        tpu.enqueue_dma source(%dma_start3A_986 : memref<32x128xf32, #tpu.memory_space<vmem_shared>>) target(%dma_start3A_982 : memref<32x128xf32, #tpu.memory_space<vmem>>) target_semaphore(%arg24 : memref<!tpu.dma_semaphore, #tpu.memory_space<semaphore_mem>>)
        %dma_start3A_987 = arith.constant 32 : i32
        %dma_start3A_988 = arith.constant 0 : i32
        %dma_start3A_989 = tpu.memref_slice %arg8[%dma_start3A_987, %dma_start3A_988] : memref<64x128xf32, #tpu.memory_space<vmem>> -> memref<32x128xf32, #tpu.memory_space<vmem>>
        %dma_start3A_990 = arith.constant 0 : i32
        %dma_start3A_991 = arith.constant 0 : i32
        %dma_start3A_992 = tpu.memref_slice %arg7[%sub3A_972, %dma_start3A_990, %dma_start3A_991] : memref<100x32x128xf32, #tpu.memory_space<vmem_shared>> -> memref<1x32x128xf32, #tpu.memory_space<vmem_shared>>
        %dma_start3A_993 = tpu.memref_squeeze %dma_start3A_992 : memref<1x32x128xf32, #tpu.memory_space<vmem_shared>> -> memref<32x128xf32, #tpu.memory_space<vmem_shared>>
        %dma_start3A_994 = arith.constant 32 : i32
        %dma_start3A_995 = arith.constant 0 : i32
        %dma_start3A_996 = tpu.memref_slice %arg8[%dma_start3A_994, %dma_start3A_995] : memref<64x128xf32, #tpu.memory_space<vmem>> -> memref<32x128xf32, #tpu.memory_space<vmem>>
        %dma_start3A_997 = arith.constant 0 : i32
        %dma_start3A_998 = arith.constant 0 : i32
        %dma_start3A_999 = tpu.memref_slice %arg7[%sub3A_972, %dma_start3A_997, %dma_start3A_998] : memref<100x32x128xf32, #tpu.memory_space<vmem_shared>> -> memref<1x32x128xf32, #tpu.memory_space<vmem_shared>>
        %dma_start3A_1000 = tpu.memref_squeeze %dma_start3A_999 : memref<1x32x128xf32, #tpu.memory_space<vmem_shared>> -> memref<32x128xf32, #tpu.memory_space<vmem_shared>>
        tpu.enqueue_dma source(%dma_start3A_1000 : memref<32x128xf32, #tpu.memory_space<vmem_shared>>) target(%dma_start3A_996 : memref<32x128xf32, #tpu.memory_space<vmem>>) target_semaphore(%arg24 : memref<!tpu.dma_semaphore, #tpu.memory_space<semaphore_mem>>)
        %dma_wait3A_1001 = arith.constant 0 : i32
        %dma_wait3A_1002 = arith.constant 0 : i32
        %dma_wait3A_1003 = tpu.memref_slice %arg8[%dma_wait3A_1001, %dma_wait3A_1002] : memref<64x128xf32, #tpu.memory_space<vmem>> -> memref<32x128xf32, #tpu.memory_space<vmem>>
        %dma_wait3A_1004 = arith.constant 0 : i32
        %dma_wait3A_1005 = arith.constant 0 : i32
        %dma_wait3A_1006 = tpu.memref_slice %arg7[%sub3A_972, %dma_wait3A_1004, %dma_wait3A_1005] : memref<100x32x128xf32, #tpu.memory_space<vmem_shared>> -> memref<1x32x128xf32, #tpu.memory_space<vmem_shared>>
        %dma_wait3A_1007 = tpu.memref_squeeze %dma_wait3A_1006 : memref<1x32x128xf32, #tpu.memory_space<vmem_shared>> -> memref<32x128xf32, #tpu.memory_space<vmem_shared>>
        %dma_wait3A_1008 = arith.constant 0 : i32
        %dma_wait3A_1009 = arith.constant 0 : i32
        %dma_wait3A_1010 = tpu.memref_slice %arg8[%dma_wait3A_1008, %dma_wait3A_1009] : memref<64x128xf32, #tpu.memory_space<vmem>> -> memref<32x128xf32, #tpu.memory_space<vmem>>
        %dma_wait3A_1011 = arith.constant 0 : i32
        %dma_wait3A_1012 = arith.constant 0 : i32
        %dma_wait3A_1013 = tpu.memref_slice %arg7[%sub3A_972, %dma_wait3A_1011, %dma_wait3A_1012] : memref<100x32x128xf32, #tpu.memory_space<vmem_shared>> -> memref<1x32x128xf32, #tpu.memory_space<vmem_shared>>
        %dma_wait3A_1014 = tpu.memref_squeeze %dma_wait3A_1013 : memref<1x32x128xf32, #tpu.memory_space<vmem_shared>> -> memref<32x128xf32, #tpu.memory_space<vmem_shared>>
        tpu.wait_dma2 semaphore(%arg24 : memref<!tpu.dma_semaphore, #tpu.memory_space<semaphore_mem>>) src(%dma_wait3A_1014 : memref<32x128xf32, #tpu.memory_space<vmem_shared>>) dst(%dma_wait3A_1010 : memref<32x128xf32, #tpu.memory_space<vmem>>)
        %dma_wait3A_1015 = arith.constant 32 : i32
        %dma_wait3A_1016 = arith.constant 0 : i32
        %dma_wait3A_1017 = tpu.memref_slice %arg8[%dma_wait3A_1015, %dma_wait3A_1016] : memref<64x128xf32, #tpu.memory_space<vmem>> -> memref<32x128xf32, #tpu.memory_space<vmem>>
        %dma_wait3A_1018 = arith.constant 0 : i32
        %dma_wait3A_1019 = arith.constant 0 : i32
        %dma_wait3A_1020 = tpu.memref_slice %arg7[%sub3A_972, %dma_wait3A_1018, %dma_wait3A_1019] : memref<100x32x128xf32, #tpu.memory_space<vmem_shared>> -> memref<1x32x128xf32, #tpu.memory_space<vmem_shared>>
        %dma_wait3A_1021 = tpu.memref_squeeze %dma_wait3A_1020 : memref<1x32x128xf32, #tpu.memory_space<vmem_shared>> -> memref<32x128xf32, #tpu.memory_space<vmem_shared>>
        %dma_wait3A_1022 = arith.constant 32 : i32
        %dma_wait3A_1023 = arith.constant 0 : i32
        %dma_wait3A_1024 = tpu.memref_slice %arg8[%dma_wait3A_1022, %dma_wait3A_1023] : memref<64x128xf32, #tpu.memory_space<vmem>> -> memref<32x128xf32, #tpu.memory_space<vmem>>
        %dma_wait3A_1025 = arith.constant 0 : i32
        %dma_wait3A_1026 = arith.constant 0 : i32
        %dma_wait3A_1027 = tpu.memref_slice %arg7[%sub3A_972, %dma_wait3A_1025, %dma_wait3A_1026] : memref<100x32x128xf32, #tpu.memory_space<vmem_shared>> -> memref<1x32x128xf32, #tpu.memory_space<vmem_shared>>
        %dma_wait3A_1028 = tpu.memref_squeeze %dma_wait3A_1027 : memref<1x32x128xf32, #tpu.memory_space<vmem_shared>> -> memref<32x128xf32, #tpu.memory_space<vmem_shared>>
        tpu.wait_dma2 semaphore(%arg24 : memref<!tpu.dma_semaphore, #tpu.memory_space<semaphore_mem>>) src(%dma_wait3A_1028 : memref<32x128xf32, #tpu.memory_space<vmem_shared>>) dst(%dma_wait3A_1024 : memref<32x128xf32, #tpu.memory_space<vmem>>)
        %mul3A_1029 = arith.constant 64 : i32
        %mul3A_1030 = arith.muli %add3A_827, %mul3A_1029 : i32
        %dma_start3A_1031 = tpu.memref_slice %arg6[%mul3A_1030] : memref<25600xi32, #tpu.memory_space<vmem>> -> memref<64xi32, #tpu.memory_space<vmem>>
        %dma_start3A_1032 = arith.constant 0 : i32
        %dma_start3A_1033 = arith.constant 0 : i32
        %dma_start3A_1034 = tpu.memref_slice %arg2[%dma_start3A_1032, %dma_start3A_1033] : memref<1000000x128xf32, #tpu.memory_space<hbm>> -> memref<1000000x128xf32, #tpu.memory_space<hbm>>
        tpu.enqueue_indirect_dma source(%dma_start3A_1034 : memref<1000000x128xf32, #tpu.memory_space<hbm>>) target(%arg8 : memref<64x128xf32, #tpu.memory_space<vmem>>) offsets(%dma_start3A_1031 : memref<64xi32, #tpu.memory_space<vmem>>) semaphore(%arg16 : memref<!tpu.dma_semaphore, #tpu.memory_space<semaphore_mem>>) {add = true}
      } else {
      }
      %add3A_832 = arith.constant 8 : i32
      %add3A_833 = arith.addi %add3A_363, %add3A_832 : i32
      %add3A_834 = arith.constant 1 : i32
      %add3A_835 = arith.addi %add3A_833, %add3A_834 : i32
      %lt3A_836 = arith.constant 400 : i32
      %lt3A_837 = arith.cmpi slt, %add3A_835, %lt3A_836 : i32
      %convert_element_type3A_838 = arith.extui %lt3A_837 : i1 to i32
      %cond3A_839 = arith.constant 0 : i32
      %cond3A_840 = arith.cmpi ne, %convert_element_type3A_838, %cond3A_839 : i32
      scf.if %cond3A_840 {
        %mul3A_943 = arith.constant 64 : i32
        %mul3A_944 = arith.muli %add3A_835, %mul3A_943 : i32
        %add3A_945 = arith.addi %mul3A_2, %mul3A_944 : i32
        %jit3A_946 = arith.constant 4096 : i32
        %div3A_947 = arith.divsi %add3A_945, %jit3A_946 : i32
        %sign3A_948 = arith.constant 0 : i32
        %sign3A_949 = arith.cmpi sgt, %add3A_945, %sign3A_948 : i32
        %sign3A_950 = arith.extui %sign3A_949 : i1 to i32
        %sign3A_951 = arith.constant 0 : i32
        %sign3A_952 = arith.cmpi slt, %add3A_945, %sign3A_951 : i32
        %sign3A_953 = arith.extui %sign3A_952 : i1 to i32
        %sign3A_954 = arith.subi %sign3A_950, %sign3A_953 : i32
        %sign3A_955 = arith.constant 0 : i32
        %sign3A_956 = arith.cmpi sgt, %jit3A_946, %sign3A_955 : i32
        %sign3A_957 = arith.extui %sign3A_956 : i1 to i32
        %sign3A_958 = arith.constant 0 : i32
        %sign3A_959 = arith.cmpi slt, %jit3A_946, %sign3A_958 : i32
        %sign3A_960 = arith.extui %sign3A_959 : i1 to i32
        %sign3A_961 = arith.subi %sign3A_957, %sign3A_960 : i32
        %ne3A_962 = arith.cmpi ne, %sign3A_954, %sign3A_961 : i32
        %rem3A_963 = arith.remsi %add3A_945, %jit3A_946 : i32
        %ne3A_964 = arith.constant 0 : i32
        %ne3A_965 = arith.cmpi ne, %rem3A_963, %ne3A_964 : i32
        %and3A_966 = arith.andi %ne3A_962, %ne3A_965 : i1
        %sub3A_967 = arith.constant 1 : i32
        %sub3A_968 = arith.subi %div3A_947, %sub3A_967 : i32
        %select_n3A_969 = arith.select %and3A_966, %sub3A_968, %div3A_947 : i32
        %mul3A_970 = arith.constant 100 : i32
        %mul3A_971 = arith.muli %arg0, %mul3A_970 : i32
        %sub3A_972 = arith.subi %select_n3A_969, %mul3A_971 : i32
        %dma_start3A_973 = arith.constant 0 : i32
        %dma_start3A_974 = arith.constant 0 : i32
        %dma_start3A_975 = tpu.memref_slice %arg9[%dma_start3A_973, %dma_start3A_974] : memref<64x128xf32, #tpu.memory_space<vmem>> -> memref<32x128xf32, #tpu.memory_space<vmem>>
        %dma_start3A_976 = arith.constant 0 : i32
        %dma_start3A_977 = arith.constant 0 : i32
        %dma_start3A_978 = tpu.memref_slice %arg7[%sub3A_972, %dma_start3A_976, %dma_start3A_977] : memref<100x32x128xf32, #tpu.memory_space<vmem_shared>> -> memref<1x32x128xf32, #tpu.memory_space<vmem_shared>>
        %dma_start3A_979 = tpu.memref_squeeze %dma_start3A_978 : memref<1x32x128xf32, #tpu.memory_space<vmem_shared>> -> memref<32x128xf32, #tpu.memory_space<vmem_shared>>
        %dma_start3A_980 = arith.constant 0 : i32
        %dma_start3A_981 = arith.constant 0 : i32
        %dma_start3A_982 = tpu.memref_slice %arg9[%dma_start3A_980, %dma_start3A_981] : memref<64x128xf32, #tpu.memory_space<vmem>> -> memref<32x128xf32, #tpu.memory_space<vmem>>
        %dma_start3A_983 = arith.constant 0 : i32
        %dma_start3A_984 = arith.constant 0 : i32
        %dma_start3A_985 = tpu.memref_slice %arg7[%sub3A_972, %dma_start3A_983, %dma_start3A_984] : memref<100x32x128xf32, #tpu.memory_space<vmem_shared>> -> memref<1x32x128xf32, #tpu.memory_space<vmem_shared>>
        %dma_start3A_986 = tpu.memref_squeeze %dma_start3A_985 : memref<1x32x128xf32, #tpu.memory_space<vmem_shared>> -> memref<32x128xf32, #tpu.memory_space<vmem_shared>>
        tpu.enqueue_dma source(%dma_start3A_986 : memref<32x128xf32, #tpu.memory_space<vmem_shared>>) target(%dma_start3A_982 : memref<32x128xf32, #tpu.memory_space<vmem>>) target_semaphore(%arg25 : memref<!tpu.dma_semaphore, #tpu.memory_space<semaphore_mem>>)
        %dma_start3A_987 = arith.constant 32 : i32
        %dma_start3A_988 = arith.constant 0 : i32
        %dma_start3A_989 = tpu.memref_slice %arg9[%dma_start3A_987, %dma_start3A_988] : memref<64x128xf32, #tpu.memory_space<vmem>> -> memref<32x128xf32, #tpu.memory_space<vmem>>
        %dma_start3A_990 = arith.constant 0 : i32
        %dma_start3A_991 = arith.constant 0 : i32
        %dma_start3A_992 = tpu.memref_slice %arg7[%sub3A_972, %dma_start3A_990, %dma_start3A_991] : memref<100x32x128xf32, #tpu.memory_space<vmem_shared>> -> memref<1x32x128xf32, #tpu.memory_space<vmem_shared>>
        %dma_start3A_993 = tpu.memref_squeeze %dma_start3A_992 : memref<1x32x128xf32, #tpu.memory_space<vmem_shared>> -> memref<32x128xf32, #tpu.memory_space<vmem_shared>>
        %dma_start3A_994 = arith.constant 32 : i32
        %dma_start3A_995 = arith.constant 0 : i32
        %dma_start3A_996 = tpu.memref_slice %arg9[%dma_start3A_994, %dma_start3A_995] : memref<64x128xf32, #tpu.memory_space<vmem>> -> memref<32x128xf32, #tpu.memory_space<vmem>>
        %dma_start3A_997 = arith.constant 0 : i32
        %dma_start3A_998 = arith.constant 0 : i32
        %dma_start3A_999 = tpu.memref_slice %arg7[%sub3A_972, %dma_start3A_997, %dma_start3A_998] : memref<100x32x128xf32, #tpu.memory_space<vmem_shared>> -> memref<1x32x128xf32, #tpu.memory_space<vmem_shared>>
        %dma_start3A_1000 = tpu.memref_squeeze %dma_start3A_999 : memref<1x32x128xf32, #tpu.memory_space<vmem_shared>> -> memref<32x128xf32, #tpu.memory_space<vmem_shared>>
        tpu.enqueue_dma source(%dma_start3A_1000 : memref<32x128xf32, #tpu.memory_space<vmem_shared>>) target(%dma_start3A_996 : memref<32x128xf32, #tpu.memory_space<vmem>>) target_semaphore(%arg25 : memref<!tpu.dma_semaphore, #tpu.memory_space<semaphore_mem>>)
        %dma_wait3A_1001 = arith.constant 0 : i32
        %dma_wait3A_1002 = arith.constant 0 : i32
        %dma_wait3A_1003 = tpu.memref_slice %arg9[%dma_wait3A_1001, %dma_wait3A_1002] : memref<64x128xf32, #tpu.memory_space<vmem>> -> memref<32x128xf32, #tpu.memory_space<vmem>>
        %dma_wait3A_1004 = arith.constant 0 : i32
        %dma_wait3A_1005 = arith.constant 0 : i32
        %dma_wait3A_1006 = tpu.memref_slice %arg7[%sub3A_972, %dma_wait3A_1004, %dma_wait3A_1005] : memref<100x32x128xf32, #tpu.memory_space<vmem_shared>> -> memref<1x32x128xf32, #tpu.memory_space<vmem_shared>>
        %dma_wait3A_1007 = tpu.memref_squeeze %dma_wait3A_1006 : memref<1x32x128xf32, #tpu.memory_space<vmem_shared>> -> memref<32x128xf32, #tpu.memory_space<vmem_shared>>
        %dma_wait3A_1008 = arith.constant 0 : i32
        %dma_wait3A_1009 = arith.constant 0 : i32
        %dma_wait3A_1010 = tpu.memref_slice %arg9[%dma_wait3A_1008, %dma_wait3A_1009] : memref<64x128xf32, #tpu.memory_space<vmem>> -> memref<32x128xf32, #tpu.memory_space<vmem>>
        %dma_wait3A_1011 = arith.constant 0 : i32
        %dma_wait3A_1012 = arith.constant 0 : i32
        %dma_wait3A_1013 = tpu.memref_slice %arg7[%sub3A_972, %dma_wait3A_1011, %dma_wait3A_1012] : memref<100x32x128xf32, #tpu.memory_space<vmem_shared>> -> memref<1x32x128xf32, #tpu.memory_space<vmem_shared>>
        %dma_wait3A_1014 = tpu.memref_squeeze %dma_wait3A_1013 : memref<1x32x128xf32, #tpu.memory_space<vmem_shared>> -> memref<32x128xf32, #tpu.memory_space<vmem_shared>>
        tpu.wait_dma2 semaphore(%arg25 : memref<!tpu.dma_semaphore, #tpu.memory_space<semaphore_mem>>) src(%dma_wait3A_1014 : memref<32x128xf32, #tpu.memory_space<vmem_shared>>) dst(%dma_wait3A_1010 : memref<32x128xf32, #tpu.memory_space<vmem>>)
        %dma_wait3A_1015 = arith.constant 32 : i32
        %dma_wait3A_1016 = arith.constant 0 : i32
        %dma_wait3A_1017 = tpu.memref_slice %arg9[%dma_wait3A_1015, %dma_wait3A_1016] : memref<64x128xf32, #tpu.memory_space<vmem>> -> memref<32x128xf32, #tpu.memory_space<vmem>>
        %dma_wait3A_1018 = arith.constant 0 : i32
        %dma_wait3A_1019 = arith.constant 0 : i32
        %dma_wait3A_1020 = tpu.memref_slice %arg7[%sub3A_972, %dma_wait3A_1018, %dma_wait3A_1019] : memref<100x32x128xf32, #tpu.memory_space<vmem_shared>> -> memref<1x32x128xf32, #tpu.memory_space<vmem_shared>>
        %dma_wait3A_1021 = tpu.memref_squeeze %dma_wait3A_1020 : memref<1x32x128xf32, #tpu.memory_space<vmem_shared>> -> memref<32x128xf32, #tpu.memory_space<vmem_shared>>
        %dma_wait3A_1022 = arith.constant 32 : i32
        %dma_wait3A_1023 = arith.constant 0 : i32
        %dma_wait3A_1024 = tpu.memref_slice %arg9[%dma_wait3A_1022, %dma_wait3A_1023] : memref<64x128xf32, #tpu.memory_space<vmem>> -> memref<32x128xf32, #tpu.memory_space<vmem>>
        %dma_wait3A_1025 = arith.constant 0 : i32
        %dma_wait3A_1026 = arith.constant 0 : i32
        %dma_wait3A_1027 = tpu.memref_slice %arg7[%sub3A_972, %dma_wait3A_1025, %dma_wait3A_1026] : memref<100x32x128xf32, #tpu.memory_space<vmem_shared>> -> memref<1x32x128xf32, #tpu.memory_space<vmem_shared>>
        %dma_wait3A_1028 = tpu.memref_squeeze %dma_wait3A_1027 : memref<1x32x128xf32, #tpu.memory_space<vmem_shared>> -> memref<32x128xf32, #tpu.memory_space<vmem_shared>>
        tpu.wait_dma2 semaphore(%arg25 : memref<!tpu.dma_semaphore, #tpu.memory_space<semaphore_mem>>) src(%dma_wait3A_1028 : memref<32x128xf32, #tpu.memory_space<vmem_shared>>) dst(%dma_wait3A_1024 : memref<32x128xf32, #tpu.memory_space<vmem>>)
        %mul3A_1029 = arith.constant 64 : i32
        %mul3A_1030 = arith.muli %add3A_835, %mul3A_1029 : i32
        %dma_start3A_1031 = tpu.memref_slice %arg6[%mul3A_1030] : memref<25600xi32, #tpu.memory_space<vmem>> -> memref<64xi32, #tpu.memory_space<vmem>>
        %dma_start3A_1032 = arith.constant 0 : i32
        %dma_start3A_1033 = arith.constant 0 : i32
        %dma_start3A_1034 = tpu.memref_slice %arg2[%dma_start3A_1032, %dma_start3A_1033] : memref<1000000x128xf32, #tpu.memory_space<hbm>> -> memref<1000000x128xf32, #tpu.memory_space<hbm>>
        tpu.enqueue_indirect_dma source(%dma_start3A_1034 : memref<1000000x128xf32, #tpu.memory_space<hbm>>) target(%arg9 : memref<64x128xf32, #tpu.memory_space<vmem>>) offsets(%dma_start3A_1031 : memref<64xi32, #tpu.memory_space<vmem>>) semaphore(%arg17 : memref<!tpu.dma_semaphore, #tpu.memory_space<semaphore_mem>>) {add = true}
      } else {
      }
      %add3A_841 = arith.constant 8 : i32
      %add3A_842 = arith.addi %add3A_363, %add3A_841 : i32
      %add3A_843 = arith.constant 2 : i32
      %add3A_844 = arith.addi %add3A_842, %add3A_843 : i32
      %lt3A_845 = arith.constant 400 : i32
      %lt3A_846 = arith.cmpi slt, %add3A_844, %lt3A_845 : i32
      %convert_element_type3A_847 = arith.extui %lt3A_846 : i1 to i32
      %cond3A_848 = arith.constant 0 : i32
      %cond3A_849 = arith.cmpi ne, %convert_element_type3A_847, %cond3A_848 : i32
      scf.if %cond3A_849 {
        %mul3A_943 = arith.constant 64 : i32
        %mul3A_944 = arith.muli %add3A_844, %mul3A_943 : i32
        %add3A_945 = arith.addi %mul3A_2, %mul3A_944 : i32
        %jit3A_946 = arith.constant 4096 : i32
        %div3A_947 = arith.divsi %add3A_945, %jit3A_946 : i32
        %sign3A_948 = arith.constant 0 : i32
        %sign3A_949 = arith.cmpi sgt, %add3A_945, %sign3A_948 : i32
        %sign3A_950 = arith.extui %sign3A_949 : i1 to i32
        %sign3A_951 = arith.constant 0 : i32
        %sign3A_952 = arith.cmpi slt, %add3A_945, %sign3A_951 : i32
        %sign3A_953 = arith.extui %sign3A_952 : i1 to i32
        %sign3A_954 = arith.subi %sign3A_950, %sign3A_953 : i32
        %sign3A_955 = arith.constant 0 : i32
        %sign3A_956 = arith.cmpi sgt, %jit3A_946, %sign3A_955 : i32
        %sign3A_957 = arith.extui %sign3A_956 : i1 to i32
        %sign3A_958 = arith.constant 0 : i32
        %sign3A_959 = arith.cmpi slt, %jit3A_946, %sign3A_958 : i32
        %sign3A_960 = arith.extui %sign3A_959 : i1 to i32
        %sign3A_961 = arith.subi %sign3A_957, %sign3A_960 : i32
        %ne3A_962 = arith.cmpi ne, %sign3A_954, %sign3A_961 : i32
        %rem3A_963 = arith.remsi %add3A_945, %jit3A_946 : i32
        %ne3A_964 = arith.constant 0 : i32
        %ne3A_965 = arith.cmpi ne, %rem3A_963, %ne3A_964 : i32
        %and3A_966 = arith.andi %ne3A_962, %ne3A_965 : i1
        %sub3A_967 = arith.constant 1 : i32
        %sub3A_968 = arith.subi %div3A_947, %sub3A_967 : i32
        %select_n3A_969 = arith.select %and3A_966, %sub3A_968, %div3A_947 : i32
        %mul3A_970 = arith.constant 100 : i32
        %mul3A_971 = arith.muli %arg0, %mul3A_970 : i32
        %sub3A_972 = arith.subi %select_n3A_969, %mul3A_971 : i32
        %dma_start3A_973 = arith.constant 0 : i32
        %dma_start3A_974 = arith.constant 0 : i32
        %dma_start3A_975 = tpu.memref_slice %arg10[%dma_start3A_973, %dma_start3A_974] : memref<64x128xf32, #tpu.memory_space<vmem>> -> memref<32x128xf32, #tpu.memory_space<vmem>>
        %dma_start3A_976 = arith.constant 0 : i32
        %dma_start3A_977 = arith.constant 0 : i32
        %dma_start3A_978 = tpu.memref_slice %arg7[%sub3A_972, %dma_start3A_976, %dma_start3A_977] : memref<100x32x128xf32, #tpu.memory_space<vmem_shared>> -> memref<1x32x128xf32, #tpu.memory_space<vmem_shared>>
        %dma_start3A_979 = tpu.memref_squeeze %dma_start3A_978 : memref<1x32x128xf32, #tpu.memory_space<vmem_shared>> -> memref<32x128xf32, #tpu.memory_space<vmem_shared>>
        %dma_start3A_980 = arith.constant 0 : i32
        %dma_start3A_981 = arith.constant 0 : i32
        %dma_start3A_982 = tpu.memref_slice %arg10[%dma_start3A_980, %dma_start3A_981] : memref<64x128xf32, #tpu.memory_space<vmem>> -> memref<32x128xf32, #tpu.memory_space<vmem>>
        %dma_start3A_983 = arith.constant 0 : i32
        %dma_start3A_984 = arith.constant 0 : i32
        %dma_start3A_985 = tpu.memref_slice %arg7[%sub3A_972, %dma_start3A_983, %dma_start3A_984] : memref<100x32x128xf32, #tpu.memory_space<vmem_shared>> -> memref<1x32x128xf32, #tpu.memory_space<vmem_shared>>
        %dma_start3A_986 = tpu.memref_squeeze %dma_start3A_985 : memref<1x32x128xf32, #tpu.memory_space<vmem_shared>> -> memref<32x128xf32, #tpu.memory_space<vmem_shared>>
        tpu.enqueue_dma source(%dma_start3A_986 : memref<32x128xf32, #tpu.memory_space<vmem_shared>>) target(%dma_start3A_982 : memref<32x128xf32, #tpu.memory_space<vmem>>) target_semaphore(%arg26 : memref<!tpu.dma_semaphore, #tpu.memory_space<semaphore_mem>>)
        %dma_start3A_987 = arith.constant 32 : i32
        %dma_start3A_988 = arith.constant 0 : i32
        %dma_start3A_989 = tpu.memref_slice %arg10[%dma_start3A_987, %dma_start3A_988] : memref<64x128xf32, #tpu.memory_space<vmem>> -> memref<32x128xf32, #tpu.memory_space<vmem>>
        %dma_start3A_990 = arith.constant 0 : i32
        %dma_start3A_991 = arith.constant 0 : i32
        %dma_start3A_992 = tpu.memref_slice %arg7[%sub3A_972, %dma_start3A_990, %dma_start3A_991] : memref<100x32x128xf32, #tpu.memory_space<vmem_shared>> -> memref<1x32x128xf32, #tpu.memory_space<vmem_shared>>
        %dma_start3A_993 = tpu.memref_squeeze %dma_start3A_992 : memref<1x32x128xf32, #tpu.memory_space<vmem_shared>> -> memref<32x128xf32, #tpu.memory_space<vmem_shared>>
        %dma_start3A_994 = arith.constant 32 : i32
        %dma_start3A_995 = arith.constant 0 : i32
        %dma_start3A_996 = tpu.memref_slice %arg10[%dma_start3A_994, %dma_start3A_995] : memref<64x128xf32, #tpu.memory_space<vmem>> -> memref<32x128xf32, #tpu.memory_space<vmem>>
        %dma_start3A_997 = arith.constant 0 : i32
        %dma_start3A_998 = arith.constant 0 : i32
        %dma_start3A_999 = tpu.memref_slice %arg7[%sub3A_972, %dma_start3A_997, %dma_start3A_998] : memref<100x32x128xf32, #tpu.memory_space<vmem_shared>> -> memref<1x32x128xf32, #tpu.memory_space<vmem_shared>>
        %dma_start3A_1000 = tpu.memref_squeeze %dma_start3A_999 : memref<1x32x128xf32, #tpu.memory_space<vmem_shared>> -> memref<32x128xf32, #tpu.memory_space<vmem_shared>>
        tpu.enqueue_dma source(%dma_start3A_1000 : memref<32x128xf32, #tpu.memory_space<vmem_shared>>) target(%dma_start3A_996 : memref<32x128xf32, #tpu.memory_space<vmem>>) target_semaphore(%arg26 : memref<!tpu.dma_semaphore, #tpu.memory_space<semaphore_mem>>)
        %dma_wait3A_1001 = arith.constant 0 : i32
        %dma_wait3A_1002 = arith.constant 0 : i32
        %dma_wait3A_1003 = tpu.memref_slice %arg10[%dma_wait3A_1001, %dma_wait3A_1002] : memref<64x128xf32, #tpu.memory_space<vmem>> -> memref<32x128xf32, #tpu.memory_space<vmem>>
        %dma_wait3A_1004 = arith.constant 0 : i32
        %dma_wait3A_1005 = arith.constant 0 : i32
        %dma_wait3A_1006 = tpu.memref_slice %arg7[%sub3A_972, %dma_wait3A_1004, %dma_wait3A_1005] : memref<100x32x128xf32, #tpu.memory_space<vmem_shared>> -> memref<1x32x128xf32, #tpu.memory_space<vmem_shared>>
        %dma_wait3A_1007 = tpu.memref_squeeze %dma_wait3A_1006 : memref<1x32x128xf32, #tpu.memory_space<vmem_shared>> -> memref<32x128xf32, #tpu.memory_space<vmem_shared>>
        %dma_wait3A_1008 = arith.constant 0 : i32
        %dma_wait3A_1009 = arith.constant 0 : i32
        %dma_wait3A_1010 = tpu.memref_slice %arg10[%dma_wait3A_1008, %dma_wait3A_1009] : memref<64x128xf32, #tpu.memory_space<vmem>> -> memref<32x128xf32, #tpu.memory_space<vmem>>
        %dma_wait3A_1011 = arith.constant 0 : i32
        %dma_wait3A_1012 = arith.constant 0 : i32
        %dma_wait3A_1013 = tpu.memref_slice %arg7[%sub3A_972, %dma_wait3A_1011, %dma_wait3A_1012] : memref<100x32x128xf32, #tpu.memory_space<vmem_shared>> -> memref<1x32x128xf32, #tpu.memory_space<vmem_shared>>
        %dma_wait3A_1014 = tpu.memref_squeeze %dma_wait3A_1013 : memref<1x32x128xf32, #tpu.memory_space<vmem_shared>> -> memref<32x128xf32, #tpu.memory_space<vmem_shared>>
        tpu.wait_dma2 semaphore(%arg26 : memref<!tpu.dma_semaphore, #tpu.memory_space<semaphore_mem>>) src(%dma_wait3A_1014 : memref<32x128xf32, #tpu.memory_space<vmem_shared>>) dst(%dma_wait3A_1010 : memref<32x128xf32, #tpu.memory_space<vmem>>)
        %dma_wait3A_1015 = arith.constant 32 : i32
        %dma_wait3A_1016 = arith.constant 0 : i32
        %dma_wait3A_1017 = tpu.memref_slice %arg10[%dma_wait3A_1015, %dma_wait3A_1016] : memref<64x128xf32, #tpu.memory_space<vmem>> -> memref<32x128xf32, #tpu.memory_space<vmem>>
        %dma_wait3A_1018 = arith.constant 0 : i32
        %dma_wait3A_1019 = arith.constant 0 : i32
        %dma_wait3A_1020 = tpu.memref_slice %arg7[%sub3A_972, %dma_wait3A_1018, %dma_wait3A_1019] : memref<100x32x128xf32, #tpu.memory_space<vmem_shared>> -> memref<1x32x128xf32, #tpu.memory_space<vmem_shared>>
        %dma_wait3A_1021 = tpu.memref_squeeze %dma_wait3A_1020 : memref<1x32x128xf32, #tpu.memory_space<vmem_shared>> -> memref<32x128xf32, #tpu.memory_space<vmem_shared>>
        %dma_wait3A_1022 = arith.constant 32 : i32
        %dma_wait3A_1023 = arith.constant 0 : i32
        %dma_wait3A_1024 = tpu.memref_slice %arg10[%dma_wait3A_1022, %dma_wait3A_1023] : memref<64x128xf32, #tpu.memory_space<vmem>> -> memref<32x128xf32, #tpu.memory_space<vmem>>
        %dma_wait3A_1025 = arith.constant 0 : i32
        %dma_wait3A_1026 = arith.constant 0 : i32
        %dma_wait3A_1027 = tpu.memref_slice %arg7[%sub3A_972, %dma_wait3A_1025, %dma_wait3A_1026] : memref<100x32x128xf32, #tpu.memory_space<vmem_shared>> -> memref<1x32x128xf32, #tpu.memory_space<vmem_shared>>
        %dma_wait3A_1028 = tpu.memref_squeeze %dma_wait3A_1027 : memref<1x32x128xf32, #tpu.memory_space<vmem_shared>> -> memref<32x128xf32, #tpu.memory_space<vmem_shared>>
        tpu.wait_dma2 semaphore(%arg26 : memref<!tpu.dma_semaphore, #tpu.memory_space<semaphore_mem>>) src(%dma_wait3A_1028 : memref<32x128xf32, #tpu.memory_space<vmem_shared>>) dst(%dma_wait3A_1024 : memref<32x128xf32, #tpu.memory_space<vmem>>)
        %mul3A_1029 = arith.constant 64 : i32
        %mul3A_1030 = arith.muli %add3A_844, %mul3A_1029 : i32
        %dma_start3A_1031 = tpu.memref_slice %arg6[%mul3A_1030] : memref<25600xi32, #tpu.memory_space<vmem>> -> memref<64xi32, #tpu.memory_space<vmem>>
        %dma_start3A_1032 = arith.constant 0 : i32
        %dma_start3A_1033 = arith.constant 0 : i32
        %dma_start3A_1034 = tpu.memref_slice %arg2[%dma_start3A_1032, %dma_start3A_1033] : memref<1000000x128xf32, #tpu.memory_space<hbm>> -> memref<1000000x128xf32, #tpu.memory_space<hbm>>
        tpu.enqueue_indirect_dma source(%dma_start3A_1034 : memref<1000000x128xf32, #tpu.memory_space<hbm>>) target(%arg10 : memref<64x128xf32, #tpu.memory_space<vmem>>) offsets(%dma_start3A_1031 : memref<64xi32, #tpu.memory_space<vmem>>) semaphore(%arg18 : memref<!tpu.dma_semaphore, #tpu.memory_space<semaphore_mem>>) {add = true}
      } else {
      }
      %add3A_850 = arith.constant 8 : i32
      %add3A_851 = arith.addi %add3A_363, %add3A_850 : i32
      %add3A_852 = arith.constant 3 : i32
      %add3A_853 = arith.addi %add3A_851, %add3A_852 : i32
      %lt3A_854 = arith.constant 400 : i32
      %lt3A_855 = arith.cmpi slt, %add3A_853, %lt3A_854 : i32
      %convert_element_type3A_856 = arith.extui %lt3A_855 : i1 to i32
      %cond3A_857 = arith.constant 0 : i32
      %cond3A_858 = arith.cmpi ne, %convert_element_type3A_856, %cond3A_857 : i32
      scf.if %cond3A_858 {
        %mul3A_943 = arith.constant 64 : i32
        %mul3A_944 = arith.muli %add3A_853, %mul3A_943 : i32
        %add3A_945 = arith.addi %mul3A_2, %mul3A_944 : i32
        %jit3A_946 = arith.constant 4096 : i32
        %div3A_947 = arith.divsi %add3A_945, %jit3A_946 : i32
        %sign3A_948 = arith.constant 0 : i32
        %sign3A_949 = arith.cmpi sgt, %add3A_945, %sign3A_948 : i32
        %sign3A_950 = arith.extui %sign3A_949 : i1 to i32
        %sign3A_951 = arith.constant 0 : i32
        %sign3A_952 = arith.cmpi slt, %add3A_945, %sign3A_951 : i32
        %sign3A_953 = arith.extui %sign3A_952 : i1 to i32
        %sign3A_954 = arith.subi %sign3A_950, %sign3A_953 : i32
        %sign3A_955 = arith.constant 0 : i32
        %sign3A_956 = arith.cmpi sgt, %jit3A_946, %sign3A_955 : i32
        %sign3A_957 = arith.extui %sign3A_956 : i1 to i32
        %sign3A_958 = arith.constant 0 : i32
        %sign3A_959 = arith.cmpi slt, %jit3A_946, %sign3A_958 : i32
        %sign3A_960 = arith.extui %sign3A_959 : i1 to i32
        %sign3A_961 = arith.subi %sign3A_957, %sign3A_960 : i32
        %ne3A_962 = arith.cmpi ne, %sign3A_954, %sign3A_961 : i32
        %rem3A_963 = arith.remsi %add3A_945, %jit3A_946 : i32
        %ne3A_964 = arith.constant 0 : i32
        %ne3A_965 = arith.cmpi ne, %rem3A_963, %ne3A_964 : i32
        %and3A_966 = arith.andi %ne3A_962, %ne3A_965 : i1
        %sub3A_967 = arith.constant 1 : i32
        %sub3A_968 = arith.subi %div3A_947, %sub3A_967 : i32
        %select_n3A_969 = arith.select %and3A_966, %sub3A_968, %div3A_947 : i32
        %mul3A_970 = arith.constant 100 : i32
        %mul3A_971 = arith.muli %arg0, %mul3A_970 : i32
        %sub3A_972 = arith.subi %select_n3A_969, %mul3A_971 : i32
        %dma_start3A_973 = arith.constant 0 : i32
        %dma_start3A_974 = arith.constant 0 : i32
        %dma_start3A_975 = tpu.memref_slice %arg11[%dma_start3A_973, %dma_start3A_974] : memref<64x128xf32, #tpu.memory_space<vmem>> -> memref<32x128xf32, #tpu.memory_space<vmem>>
        %dma_start3A_976 = arith.constant 0 : i32
        %dma_start3A_977 = arith.constant 0 : i32
        %dma_start3A_978 = tpu.memref_slice %arg7[%sub3A_972, %dma_start3A_976, %dma_start3A_977] : memref<100x32x128xf32, #tpu.memory_space<vmem_shared>> -> memref<1x32x128xf32, #tpu.memory_space<vmem_shared>>
        %dma_start3A_979 = tpu.memref_squeeze %dma_start3A_978 : memref<1x32x128xf32, #tpu.memory_space<vmem_shared>> -> memref<32x128xf32, #tpu.memory_space<vmem_shared>>
        %dma_start3A_980 = arith.constant 0 : i32
        %dma_start3A_981 = arith.constant 0 : i32
        %dma_start3A_982 = tpu.memref_slice %arg11[%dma_start3A_980, %dma_start3A_981] : memref<64x128xf32, #tpu.memory_space<vmem>> -> memref<32x128xf32, #tpu.memory_space<vmem>>
        %dma_start3A_983 = arith.constant 0 : i32
        %dma_start3A_984 = arith.constant 0 : i32
        %dma_start3A_985 = tpu.memref_slice %arg7[%sub3A_972, %dma_start3A_983, %dma_start3A_984] : memref<100x32x128xf32, #tpu.memory_space<vmem_shared>> -> memref<1x32x128xf32, #tpu.memory_space<vmem_shared>>
        %dma_start3A_986 = tpu.memref_squeeze %dma_start3A_985 : memref<1x32x128xf32, #tpu.memory_space<vmem_shared>> -> memref<32x128xf32, #tpu.memory_space<vmem_shared>>
        tpu.enqueue_dma source(%dma_start3A_986 : memref<32x128xf32, #tpu.memory_space<vmem_shared>>) target(%dma_start3A_982 : memref<32x128xf32, #tpu.memory_space<vmem>>) target_semaphore(%arg27 : memref<!tpu.dma_semaphore, #tpu.memory_space<semaphore_mem>>)
        %dma_start3A_987 = arith.constant 32 : i32
        %dma_start3A_988 = arith.constant 0 : i32
        %dma_start3A_989 = tpu.memref_slice %arg11[%dma_start3A_987, %dma_start3A_988] : memref<64x128xf32, #tpu.memory_space<vmem>> -> memref<32x128xf32, #tpu.memory_space<vmem>>
        %dma_start3A_990 = arith.constant 0 : i32
        %dma_start3A_991 = arith.constant 0 : i32
        %dma_start3A_992 = tpu.memref_slice %arg7[%sub3A_972, %dma_start3A_990, %dma_start3A_991] : memref<100x32x128xf32, #tpu.memory_space<vmem_shared>> -> memref<1x32x128xf32, #tpu.memory_space<vmem_shared>>
        %dma_start3A_993 = tpu.memref_squeeze %dma_start3A_992 : memref<1x32x128xf32, #tpu.memory_space<vmem_shared>> -> memref<32x128xf32, #tpu.memory_space<vmem_shared>>
        %dma_start3A_994 = arith.constant 32 : i32
        %dma_start3A_995 = arith.constant 0 : i32
        %dma_start3A_996 = tpu.memref_slice %arg11[%dma_start3A_994, %dma_start3A_995] : memref<64x128xf32, #tpu.memory_space<vmem>> -> memref<32x128xf32, #tpu.memory_space<vmem>>
        %dma_start3A_997 = arith.constant 0 : i32
        %dma_start3A_998 = arith.constant 0 : i32
        %dma_start3A_999 = tpu.memref_slice %arg7[%sub3A_972, %dma_start3A_997, %dma_start3A_998] : memref<100x32x128xf32, #tpu.memory_space<vmem_shared>> -> memref<1x32x128xf32, #tpu.memory_space<vmem_shared>>
        %dma_start3A_1000 = tpu.memref_squeeze %dma_start3A_999 : memref<1x32x128xf32, #tpu.memory_space<vmem_shared>> -> memref<32x128xf32, #tpu.memory_space<vmem_shared>>
        tpu.enqueue_dma source(%dma_start3A_1000 : memref<32x128xf32, #tpu.memory_space<vmem_shared>>) target(%dma_start3A_996 : memref<32x128xf32, #tpu.memory_space<vmem>>) target_semaphore(%arg27 : memref<!tpu.dma_semaphore, #tpu.memory_space<semaphore_mem>>)
        %dma_wait3A_1001 = arith.constant 0 : i32
        %dma_wait3A_1002 = arith.constant 0 : i32
        %dma_wait3A_1003 = tpu.memref_slice %arg11[%dma_wait3A_1001, %dma_wait3A_1002] : memref<64x128xf32, #tpu.memory_space<vmem>> -> memref<32x128xf32, #tpu.memory_space<vmem>>
        %dma_wait3A_1004 = arith.constant 0 : i32
        %dma_wait3A_1005 = arith.constant 0 : i32
        %dma_wait3A_1006 = tpu.memref_slice %arg7[%sub3A_972, %dma_wait3A_1004, %dma_wait3A_1005] : memref<100x32x128xf32, #tpu.memory_space<vmem_shared>> -> memref<1x32x128xf32, #tpu.memory_space<vmem_shared>>
        %dma_wait3A_1007 = tpu.memref_squeeze %dma_wait3A_1006 : memref<1x32x128xf32, #tpu.memory_space<vmem_shared>> -> memref<32x128xf32, #tpu.memory_space<vmem_shared>>
        %dma_wait3A_1008 = arith.constant 0 : i32
        %dma_wait3A_1009 = arith.constant 0 : i32
        %dma_wait3A_1010 = tpu.memref_slice %arg11[%dma_wait3A_1008, %dma_wait3A_1009] : memref<64x128xf32, #tpu.memory_space<vmem>> -> memref<32x128xf32, #tpu.memory_space<vmem>>
        %dma_wait3A_1011 = arith.constant 0 : i32
        %dma_wait3A_1012 = arith.constant 0 : i32
        %dma_wait3A_1013 = tpu.memref_slice %arg7[%sub3A_972, %dma_wait3A_1011, %dma_wait3A_1012] : memref<100x32x128xf32, #tpu.memory_space<vmem_shared>> -> memref<1x32x128xf32, #tpu.memory_space<vmem_shared>>
        %dma_wait3A_1014 = tpu.memref_squeeze %dma_wait3A_1013 : memref<1x32x128xf32, #tpu.memory_space<vmem_shared>> -> memref<32x128xf32, #tpu.memory_space<vmem_shared>>
        tpu.wait_dma2 semaphore(%arg27 : memref<!tpu.dma_semaphore, #tpu.memory_space<semaphore_mem>>) src(%dma_wait3A_1014 : memref<32x128xf32, #tpu.memory_space<vmem_shared>>) dst(%dma_wait3A_1010 : memref<32x128xf32, #tpu.memory_space<vmem>>)
        %dma_wait3A_1015 = arith.constant 32 : i32
        %dma_wait3A_1016 = arith.constant 0 : i32
        %dma_wait3A_1017 = tpu.memref_slice %arg11[%dma_wait3A_1015, %dma_wait3A_1016] : memref<64x128xf32, #tpu.memory_space<vmem>> -> memref<32x128xf32, #tpu.memory_space<vmem>>
        %dma_wait3A_1018 = arith.constant 0 : i32
        %dma_wait3A_1019 = arith.constant 0 : i32
        %dma_wait3A_1020 = tpu.memref_slice %arg7[%sub3A_972, %dma_wait3A_1018, %dma_wait3A_1019] : memref<100x32x128xf32, #tpu.memory_space<vmem_shared>> -> memref<1x32x128xf32, #tpu.memory_space<vmem_shared>>
        %dma_wait3A_1021 = tpu.memref_squeeze %dma_wait3A_1020 : memref<1x32x128xf32, #tpu.memory_space<vmem_shared>> -> memref<32x128xf32, #tpu.memory_space<vmem_shared>>
        %dma_wait3A_1022 = arith.constant 32 : i32
        %dma_wait3A_1023 = arith.constant 0 : i32
        %dma_wait3A_1024 = tpu.memref_slice %arg11[%dma_wait3A_1022, %dma_wait3A_1023] : memref<64x128xf32, #tpu.memory_space<vmem>> -> memref<32x128xf32, #tpu.memory_space<vmem>>
        %dma_wait3A_1025 = arith.constant 0 : i32
        %dma_wait3A_1026 = arith.constant 0 : i32
        %dma_wait3A_1027 = tpu.memref_slice %arg7[%sub3A_972, %dma_wait3A_1025, %dma_wait3A_1026] : memref<100x32x128xf32, #tpu.memory_space<vmem_shared>> -> memref<1x32x128xf32, #tpu.memory_space<vmem_shared>>
        %dma_wait3A_1028 = tpu.memref_squeeze %dma_wait3A_1027 : memref<1x32x128xf32, #tpu.memory_space<vmem_shared>> -> memref<32x128xf32, #tpu.memory_space<vmem_shared>>
        tpu.wait_dma2 semaphore(%arg27 : memref<!tpu.dma_semaphore, #tpu.memory_space<semaphore_mem>>) src(%dma_wait3A_1028 : memref<32x128xf32, #tpu.memory_space<vmem_shared>>) dst(%dma_wait3A_1024 : memref<32x128xf32, #tpu.memory_space<vmem>>)
        %mul3A_1029 = arith.constant 64 : i32
        %mul3A_1030 = arith.muli %add3A_853, %mul3A_1029 : i32
        %dma_start3A_1031 = tpu.memref_slice %arg6[%mul3A_1030] : memref<25600xi32, #tpu.memory_space<vmem>> -> memref<64xi32, #tpu.memory_space<vmem>>
        %dma_start3A_1032 = arith.constant 0 : i32
        %dma_start3A_1033 = arith.constant 0 : i32
        %dma_start3A_1034 = tpu.memref_slice %arg2[%dma_start3A_1032, %dma_start3A_1033] : memref<1000000x128xf32, #tpu.memory_space<hbm>> -> memref<1000000x128xf32, #tpu.memory_space<hbm>>
        tpu.enqueue_indirect_dma source(%dma_start3A_1034 : memref<1000000x128xf32, #tpu.memory_space<hbm>>) target(%arg11 : memref<64x128xf32, #tpu.memory_space<vmem>>) offsets(%dma_start3A_1031 : memref<64xi32, #tpu.memory_space<vmem>>) semaphore(%arg19 : memref<!tpu.dma_semaphore, #tpu.memory_space<semaphore_mem>>) {add = true}
      } else {
      }
      %dma_wait3A_859 = arith.constant 0 : i32
      %dma_wait3A_860 = arith.constant 0 : i32
      %dma_wait3A_861 = tpu.memref_slice %arg5[%dma_wait3A_859, %dma_wait3A_860] : memref<819200x128xf32, #tpu.memory_space<hbm>> -> memref<64x128xf32, #tpu.memory_space<hbm>>
      %dma_wait3A_862 = arith.constant 0 : i32
      %dma_wait3A_863 = arith.constant 0 : i32
      %dma_wait3A_864 = tpu.memref_slice %arg5[%dma_wait3A_862, %dma_wait3A_863] : memref<819200x128xf32, #tpu.memory_space<hbm>> -> memref<64x128xf32, #tpu.memory_space<hbm>>
      tpu.wait_dma2 semaphore(%arg20 : memref<!tpu.dma_semaphore, #tpu.memory_space<semaphore_mem>>) src(%dma_wait3A_864 : memref<64x128xf32, #tpu.memory_space<hbm>>) dst(%arg12 : memref<64x128xf32, #tpu.memory_space<vmem>>)
      %dma_wait3A_865 = arith.constant 0 : i32
      %dma_wait3A_866 = arith.constant 0 : i32
      %dma_wait3A_867 = tpu.memref_slice %arg5[%dma_wait3A_865, %dma_wait3A_866] : memref<819200x128xf32, #tpu.memory_space<hbm>> -> memref<64x128xf32, #tpu.memory_space<hbm>>
      %dma_wait3A_868 = arith.constant 0 : i32
      %dma_wait3A_869 = arith.constant 0 : i32
      %dma_wait3A_870 = tpu.memref_slice %arg5[%dma_wait3A_868, %dma_wait3A_869] : memref<819200x128xf32, #tpu.memory_space<hbm>> -> memref<64x128xf32, #tpu.memory_space<hbm>>
      tpu.wait_dma2 semaphore(%arg21 : memref<!tpu.dma_semaphore, #tpu.memory_space<semaphore_mem>>) src(%dma_wait3A_870 : memref<64x128xf32, #tpu.memory_space<hbm>>) dst(%arg13 : memref<64x128xf32, #tpu.memory_space<vmem>>)
      %dma_wait3A_871 = arith.constant 0 : i32
      %dma_wait3A_872 = arith.constant 0 : i32
      %dma_wait3A_873 = tpu.memref_slice %arg5[%dma_wait3A_871, %dma_wait3A_872] : memref<819200x128xf32, #tpu.memory_space<hbm>> -> memref<64x128xf32, #tpu.memory_space<hbm>>
      %dma_wait3A_874 = arith.constant 0 : i32
      %dma_wait3A_875 = arith.constant 0 : i32
      %dma_wait3A_876 = tpu.memref_slice %arg5[%dma_wait3A_874, %dma_wait3A_875] : memref<819200x128xf32, #tpu.memory_space<hbm>> -> memref<64x128xf32, #tpu.memory_space<hbm>>
      tpu.wait_dma2 semaphore(%arg22 : memref<!tpu.dma_semaphore, #tpu.memory_space<semaphore_mem>>) src(%dma_wait3A_876 : memref<64x128xf32, #tpu.memory_space<hbm>>) dst(%arg14 : memref<64x128xf32, #tpu.memory_space<vmem>>)
      %dma_wait3A_877 = arith.constant 0 : i32
      %dma_wait3A_878 = arith.constant 0 : i32
      %dma_wait3A_879 = tpu.memref_slice %arg5[%dma_wait3A_877, %dma_wait3A_878] : memref<819200x128xf32, #tpu.memory_space<hbm>> -> memref<64x128xf32, #tpu.memory_space<hbm>>
      %dma_wait3A_880 = arith.constant 0 : i32
      %dma_wait3A_881 = arith.constant 0 : i32
      %dma_wait3A_882 = tpu.memref_slice %arg5[%dma_wait3A_880, %dma_wait3A_881] : memref<819200x128xf32, #tpu.memory_space<hbm>> -> memref<64x128xf32, #tpu.memory_space<hbm>>
      tpu.wait_dma2 semaphore(%arg23 : memref<!tpu.dma_semaphore, #tpu.memory_space<semaphore_mem>>) src(%dma_wait3A_882 : memref<64x128xf32, #tpu.memory_space<hbm>>) dst(%arg15 : memref<64x128xf32, #tpu.memory_space<vmem>>)
      %add3A_883 = arith.constant 4 : i32
      %add3A_884 = arith.addi %add3A_363, %add3A_883 : i32
      %add3A_885 = arith.constant 0 : i32
      %add3A_886 = arith.addi %add3A_884, %add3A_885 : i32
      %mul3A_887 = arith.constant 64 : i32
      %mul3A_888 = arith.muli %add3A_886, %mul3A_887 : i32
      %add3A_889 = arith.addi %mul3A_2, %mul3A_888 : i32
      %dma_start3A_890 = arith.constant 0 : i32
      %dma_start3A_891 = tpu.memref_slice %arg5[%add3A_889, %dma_start3A_890] : memref<819200x128xf32, #tpu.memory_space<hbm>> -> memref<64x128xf32, #tpu.memory_space<hbm>>
      %dma_start3A_892 = arith.constant 0 : i32
      %dma_start3A_893 = tpu.memref_slice %arg5[%add3A_889, %dma_start3A_892] : memref<819200x128xf32, #tpu.memory_space<hbm>> -> memref<64x128xf32, #tpu.memory_space<hbm>>
      tpu.enqueue_dma source(%arg12 : memref<64x128xf32, #tpu.memory_space<vmem>>) target(%dma_start3A_893 : memref<64x128xf32, #tpu.memory_space<hbm>>) target_semaphore(%arg28 : memref<!tpu.dma_semaphore, #tpu.memory_space<semaphore_mem>>)
      %add3A_894 = arith.constant 4 : i32
      %add3A_895 = arith.addi %add3A_363, %add3A_894 : i32
      %add3A_896 = arith.constant 1 : i32
      %add3A_897 = arith.addi %add3A_895, %add3A_896 : i32
      %mul3A_898 = arith.constant 64 : i32
      %mul3A_899 = arith.muli %add3A_897, %mul3A_898 : i32
      %add3A_900 = arith.addi %mul3A_2, %mul3A_899 : i32
      %dma_start3A_901 = arith.constant 0 : i32
      %dma_start3A_902 = tpu.memref_slice %arg5[%add3A_900, %dma_start3A_901] : memref<819200x128xf32, #tpu.memory_space<hbm>> -> memref<64x128xf32, #tpu.memory_space<hbm>>
      %dma_start3A_903 = arith.constant 0 : i32
      %dma_start3A_904 = tpu.memref_slice %arg5[%add3A_900, %dma_start3A_903] : memref<819200x128xf32, #tpu.memory_space<hbm>> -> memref<64x128xf32, #tpu.memory_space<hbm>>
      tpu.enqueue_dma source(%arg13 : memref<64x128xf32, #tpu.memory_space<vmem>>) target(%dma_start3A_904 : memref<64x128xf32, #tpu.memory_space<hbm>>) target_semaphore(%arg29 : memref<!tpu.dma_semaphore, #tpu.memory_space<semaphore_mem>>)
      %add3A_905 = arith.constant 4 : i32
      %add3A_906 = arith.addi %add3A_363, %add3A_905 : i32
      %add3A_907 = arith.constant 2 : i32
      %add3A_908 = arith.addi %add3A_906, %add3A_907 : i32
      %mul3A_909 = arith.constant 64 : i32
      %mul3A_910 = arith.muli %add3A_908, %mul3A_909 : i32
      %add3A_911 = arith.addi %mul3A_2, %mul3A_910 : i32
      %dma_start3A_912 = arith.constant 0 : i32
      %dma_start3A_913 = tpu.memref_slice %arg5[%add3A_911, %dma_start3A_912] : memref<819200x128xf32, #tpu.memory_space<hbm>> -> memref<64x128xf32, #tpu.memory_space<hbm>>
      %dma_start3A_914 = arith.constant 0 : i32
      %dma_start3A_915 = tpu.memref_slice %arg5[%add3A_911, %dma_start3A_914] : memref<819200x128xf32, #tpu.memory_space<hbm>> -> memref<64x128xf32, #tpu.memory_space<hbm>>
      tpu.enqueue_dma source(%arg14 : memref<64x128xf32, #tpu.memory_space<vmem>>) target(%dma_start3A_915 : memref<64x128xf32, #tpu.memory_space<hbm>>) target_semaphore(%arg30 : memref<!tpu.dma_semaphore, #tpu.memory_space<semaphore_mem>>)
      %add3A_916 = arith.constant 4 : i32
      %add3A_917 = arith.addi %add3A_363, %add3A_916 : i32
      %add3A_918 = arith.constant 3 : i32
      %add3A_919 = arith.addi %add3A_917, %add3A_918 : i32
      %mul3A_920 = arith.constant 64 : i32
      %mul3A_921 = arith.muli %add3A_919, %mul3A_920 : i32
      %add3A_922 = arith.addi %mul3A_2, %mul3A_921 : i32
      %dma_start3A_923 = arith.constant 0 : i32
      %dma_start3A_924 = tpu.memref_slice %arg5[%add3A_922, %dma_start3A_923] : memref<819200x128xf32, #tpu.memory_space<hbm>> -> memref<64x128xf32, #tpu.memory_space<hbm>>
      %dma_start3A_925 = arith.constant 0 : i32
      %dma_start3A_926 = tpu.memref_slice %arg5[%add3A_922, %dma_start3A_925] : memref<819200x128xf32, #tpu.memory_space<hbm>> -> memref<64x128xf32, #tpu.memory_space<hbm>>
      tpu.enqueue_dma source(%arg15 : memref<64x128xf32, #tpu.memory_space<vmem>>) target(%dma_start3A_926 : memref<64x128xf32, #tpu.memory_space<hbm>>) target_semaphore(%arg31 : memref<!tpu.dma_semaphore, #tpu.memory_space<semaphore_mem>>)
      %dma_wait3A_927 = arith.constant 0 : i32
      %dma_wait3A_928 = tpu.memref_slice %arg5[%add3A_889, %dma_wait3A_927] : memref<819200x128xf32, #tpu.memory_space<hbm>> -> memref<64x128xf32, #tpu.memory_space<hbm>>
      %dma_wait3A_929 = arith.constant 0 : i32
      %dma_wait3A_930 = tpu.memref_slice %arg5[%add3A_889, %dma_wait3A_929] : memref<819200x128xf32, #tpu.memory_space<hbm>> -> memref<64x128xf32, #tpu.memory_space<hbm>>
      tpu.wait_dma2 semaphore(%arg28 : memref<!tpu.dma_semaphore, #tpu.memory_space<semaphore_mem>>) src(%arg12 : memref<64x128xf32, #tpu.memory_space<vmem>>) dst(%dma_wait3A_930 : memref<64x128xf32, #tpu.memory_space<hbm>>)
      %dma_wait3A_931 = arith.constant 0 : i32
      %dma_wait3A_932 = tpu.memref_slice %arg5[%add3A_900, %dma_wait3A_931] : memref<819200x128xf32, #tpu.memory_space<hbm>> -> memref<64x128xf32, #tpu.memory_space<hbm>>
      %dma_wait3A_933 = arith.constant 0 : i32
      %dma_wait3A_934 = tpu.memref_slice %arg5[%add3A_900, %dma_wait3A_933] : memref<819200x128xf32, #tpu.memory_space<hbm>> -> memref<64x128xf32, #tpu.memory_space<hbm>>
      tpu.wait_dma2 semaphore(%arg29 : memref<!tpu.dma_semaphore, #tpu.memory_space<semaphore_mem>>) src(%arg13 : memref<64x128xf32, #tpu.memory_space<vmem>>) dst(%dma_wait3A_934 : memref<64x128xf32, #tpu.memory_space<hbm>>)
      %dma_wait3A_935 = arith.constant 0 : i32
      %dma_wait3A_936 = tpu.memref_slice %arg5[%add3A_911, %dma_wait3A_935] : memref<819200x128xf32, #tpu.memory_space<hbm>> -> memref<64x128xf32, #tpu.memory_space<hbm>>
      %dma_wait3A_937 = arith.constant 0 : i32
      %dma_wait3A_938 = tpu.memref_slice %arg5[%add3A_911, %dma_wait3A_937] : memref<819200x128xf32, #tpu.memory_space<hbm>> -> memref<64x128xf32, #tpu.memory_space<hbm>>
      tpu.wait_dma2 semaphore(%arg30 : memref<!tpu.dma_semaphore, #tpu.memory_space<semaphore_mem>>) src(%arg14 : memref<64x128xf32, #tpu.memory_space<vmem>>) dst(%dma_wait3A_938 : memref<64x128xf32, #tpu.memory_space<hbm>>)
      %dma_wait3A_939 = arith.constant 0 : i32
      %dma_wait3A_940 = tpu.memref_slice %arg5[%add3A_922, %dma_wait3A_939] : memref<819200x128xf32, #tpu.memory_space<hbm>> -> memref<64x128xf32, #tpu.memory_space<hbm>>
      %dma_wait3A_941 = arith.constant 0 : i32
      %dma_wait3A_942 = tpu.memref_slice %arg5[%add3A_922, %dma_wait3A_941] : memref<819200x128xf32, #tpu.memory_space<hbm>> -> memref<64x128xf32, #tpu.memory_space<hbm>>
      tpu.wait_dma2 semaphore(%arg31 : memref<!tpu.dma_semaphore, #tpu.memory_space<semaphore_mem>>) src(%arg15 : memref<64x128xf32, #tpu.memory_space<vmem>>) dst(%dma_wait3A_942 : memref<64x128xf32, #tpu.memory_space<hbm>>)
    }
    %scan3A_358 = arith.constant 50 : i32
    return
  }
}

</mosaic_0001>

<sc_bundles>
// kernel: _sc_embed.3.cloned.1.call-start
scs
__scs_entry_jumppad:
0x0: {  	(pc) =	sbr.rel $0x88, $3  }
0x1: {  	(tag) =	ssettag $0x0;
	lr =	simm.s32 $0x1  }
0x2: {  	[smem:$0x3F9E] =	sst lr;
	_ =	strace $0xD0000000  }
0x3: {  	_ = 	snop  }
0x4: {  	_ = 	snop  }
0x5: {  	_ = 	snop  }
0x6: {  	_ = 	snop  }
0x7: {  	_ = 	snop  }
__scs_overlays_trampoline_lowered:
0x8: {  	[smem:$0x3FAD] =	sst s0  }
0x9: {  	[smem:$0x3FAE] =	sst s1  }
0xa: {  	[smem:$0x3FAF] =	sst s2  }
0xb: {  	[smem:$0x3FB0] =	sst s3  }
0xc: {  	[smem:$0x3FB1] =	sst s4  }
0xd: {  	[smem:$0x3FB2] =	sst s5  }
0xe: {  	[smem:$0x3FB3] =	sst s6  }
0xf: {  	[smem:$0x3FB4] =	sst s7  }
0x10: {  	[smem:$0x3FB5] =	sst s8  }
0x11: {  	[smem:$0x3FB6] =	sst s9;
	s0 =	simm.s32 @!p0 $0x0  }
0x12: {  	s1 =	sld [smem:$0x3F9C];
	s0 =	simm.s32 @p0 $0x1  }
0x13: {  	[smem:$0x3FB7] =	sst s0;
	s0 =	simm.s32 @!p1 $0x0  }
0x14: {  	s2 =	sld [smem:$0x3F9B];
	s0 =	simm.s32 @p1 $0x1  }
0x15: {  	[smem:$0x3FB8] =	sst s0;
	s0 =	simm.s32 @!p2 $0x0  }
0x16: {  	s3 =	sld [smem:$0x3FDB];
	s0 =	simm.s32 @p2 $0x1  }
0x17: {  	s4 =	simm.s32 $0x1BF5;
	[smem:$0x3FBA] =	sst s0  }
0x18: {  	s0 =	sld [smem:$0x3F9D];
	_ =	swait.ge [sflag:s4], $0x0  }
0x19: {  	s7 =	sld [smem:$0x3F9E]  }
0x1a: {  	s8 =	sadd.s32 $0xFFFFE003, lr  }
0x1b: {  	s9 =	sadd.s32 $0xFFFFFEF7, lr;
	s5 =	simm.s32 $0xFFFFFFFF;
	p2 =	slt.u32 s8, $0xFFFFF086  }
0x1c: {  	p1 =	slt.u32 s9, $0xF7A;
	s5 =	simm.s32 @!p2 $0x0  }
0x1d: {  	s5 =	simm.s32 @p1 $0x1;
	p0 =	seq.s32 s7, s2  }
0x1e: {  	s7 =	smul.u32 @!p0 $0xF7A, s2;
	p2 =	seq.s32 @!p0 s5, $0x0  }
0x1f: {  	s9 =	smul.u32 $0xF7A, s1;
	s8 =	simm.s32 @!p0 $0x1BF5;
	p2 =	por !p2, p0  }
0x20: {  	[sflag:s8] =	ssyncset.s32 @!p0 $0xFFFFF086;
	s6 =	sadd.s32 @!p0 s3, s7;
	s7 =	simm.s32 @!p0 $0x108  }
0x21: {  	s3 =	sadd.s32 s3, s9;
	s6 =	sadd.s32 @!p0 $0x88, s6;
	s7 =	simm.s32 @p2 $0x1082  }
0x22: {  	[simem:s7], [sflag:s8] =	dma.local @!p0 [hbm:s6], $0xF7A  }
0x23: {  	s9 =	sor.u32 $0xD0000000, s2;
	s6 =	simm.s32 $0x108;
	_ =	swait.ge @!p0 [sflag:s8], $0x0  }
0x24: {  	s3 =	sadd.s32 $0x88, s3;
	s6 =	simm.s32 @!p1 $0x1082;
	[sflag:s4] =	ssyncset.s32 $0xFFFFF086  }
0x25: {  	[simem:s6], [sflag:s4] =	dma.local [hbm:s3], $0xF7A  }
0x26: {  	[smem:$0x3F9E] =	sst s1;
	(tag) =	ssettag s2;
	_ =	strace s9  }
0x27: {  	s1 =	sld [smem:$0x3FAE]  }
0x28: {  	s2 =	sld [smem:$0x3FAF]  }
0x29: {  	s4 =	sld [smem:$0x3FB1]  }
0x2a: {  	p0 =	seq.s32 s5, $0x0;
	s5 =	sld [smem:$0x3FB2]  }
0x2b: {  	s6 =	sld [smem:$0x3FB3]  }
0x2c: {  	s7 =	sld [smem:$0x3FB4]  }
0x2d: {  	s3 =	simm.s32 $0x108;
	s8 =	sld [smem:$0x3FB5]  }
0x2e: {  	s3 =	simm.s32 @!p0 $0x1082;
	s9 =	sld [smem:$0x3FB6]  }
0x2f: {  	lr =	sadd.s32 s0, s3;
	s0 =	sld [smem:$0x3FAD]  }
0x30: {  	s3 =	sld [smem:$0x3FB0]  }
0x31: {  	[smem:$0x3FB9] =	sst s10  }
0x32: {  	s10 =	sld [smem:$0x3FB7];
	_ =	sdelay $0x3  }
0x33: {  	p0 =	seq.s32 s10, $0x1;
	s10 =	sld [smem:$0x3FB9];
	_ =	sdelay $0x3  }
0x34: {  	[smem:$0x3FB9] =	sst s10  }
0x35: {  	s10 =	sld [smem:$0x3FB8];
	_ =	sdelay $0x3  }
0x36: {  	p1 =	seq.s32 s10, $0x1;
	s10 =	sld [smem:$0x3FB9];
	_ =	sdelay $0x3  }
0x37: {  	[smem:$0x3FB9] =	sst s10  }
0x38: {  	s10 =	sld [smem:$0x3FBA]  }
0x39: {  	_ = 	snop;
	(pc) =	sbr.ind lr, $3  }
0x3a: {  	_ = 	snop  }
0x3b: {  	_ = 	snop  }
0x3c: {  	p2 =	seq.s32 s10, $0x1;
	s10 =	sld [smem:$0x3FB9]  }
0x3d: {  	_ =	shalt  }
0x3e: {  	_ =	shalt  }
0x3f: {  	_ =	shalt  }
0x40: {  	_ =	shalt  }
0x41: {  	_ =	shalt  }
0x42: {  	_ =	shalt  }
0x43: {  	_ =	shalt  }
0x44: {  	_ =	shalt  }
0x45: {  	_ =	shalt  }
0x46: {  	_ =	shalt  }
0x47: {  	_ =	shalt  }
0x48: {  	_ =	shalt  }
0x49: {  	_ =	shalt  }
0x4a: {  	_ =	shalt  }
0x4b: {  	_ =	shalt  }
0x4c: {  	_ =	shalt  }
0x4d: {  	_ =	shalt  }
0x4e: {  	_ =	shalt  }
0x4f: {  	_ =	shalt  }
0x50: {  	_ =	shalt  }
0x51: {  	_ =	shalt  }
0x52: {  	_ =	shalt  }
0x53: {  	_ =	shalt  }
0x54: {  	_ =	shalt  }
0x55: {  	_ =	shalt  }
0x56: {  	_ =	shalt  }
0x57: {  	_ =	shalt  }
0x58: {  	_ =	shalt  }
0x59: {  	_ =	shalt  }
0x5a: {  	_ =	shalt  }
0x5b: {  	_ =	shalt  }
0x5c: {  	_ =	shalt  }
0x5d: {  	_ =	shalt  }
0x5e: {  	_ =	shalt  }
0x5f: {  	_ =	shalt  }
0x60: {  	_ =	shalt  }
0x61: {  	_ =	shalt  }
0x62: {  	_ =	shalt  }
0x63: {  	_ =	shalt  }
0x64: {  	_ =	shalt  }
0x65: {  	_ =	shalt  }
0x66: {  	_ =	shalt  }
0x67: {  	_ =	shalt  }
0x68: {  	_ =	shalt  }
0x69: {  	_ =	shalt  }
0x6a: {  	_ =	shalt  }
0x6b: {  	_ =	shalt  }
0x6c: {  	_ =	shalt  }
0x6d: {  	_ =	shalt  }
0x6e: {  	_ =	shalt  }
0x6f: {  	_ =	shalt  }
0x70: {  	_ =	shalt  }
0x71: {  	_ =	shalt  }
0x72: {  	_ =	shalt  }
0x73: {  	_ =	shalt  }
0x74: {  	_ =	shalt  }
0x75: {  	_ =	shalt  }
0x76: {  	_ =	shalt  }
0x77: {  	_ =	shalt  }
0x78: {  	_ =	shalt  }
0x79: {  	_ =	shalt  }
0x7a: {  	_ =	shalt  }
0x7b: {  	_ =	shalt  }
0x7c: {  	_ =	shalt  }
0x7d: {  	_ =	shalt  }
0x7e: {  	_ =	shalt  }
0x7f: {  	_ =	shalt  }
0x80: {  	_ =	shalt  }
0x81: {  	_ =	shalt  }
0x82: {  	_ =	shalt  }
0x83: {  	_ =	shalt  }
0x84: {  	_ =	shalt  }
0x85: {  	_ =	shalt  }
0x86: {  	_ =	shalt  }
0x87: {  	_ =	shalt  }
.Lfunc_end0:
.L_simem_size_0:
called_computation_lowered:
.L_overlay_start_0:
0x88: {  	s2 =	sld [smem:$0x3FD9]  }
0x89: {  	s3 =	sld [smem:$0x3FFE];
	_ =	sdelay $0x1  }
0x8a: {  	s1 =	srdreg.scid  }
0x8b: {  	s0 =	sand.u32 $0x1, s1  }
0x8c: {  	s18 =	sshll.u32 s0, $0xA;
	s2 =	sadd.s32 s3, s2  }
0x8d: {  	s2 =	sadd.s32 s2, s18  }
0x8e: {  	[smem:$0x3FC5] =	sst s2  }
0x8f: {  	_ = 	snop  }
0x90: {  	s2 =	sld [smem:$0x3FC9]  }
0x91: {  	s19 =	sld [smem:$0x3FC8]  }
0x92: {  	s4 =	sld [smem:$0x3FC7]  }
0x93: {  	s5 =	sld [smem:$0x3FD0];
	(tm) =	ssettm $0x1  }
0x94: {  	s6 =	sld [smem:$0x3FFB];
	_ =	sdelay $0x3  }
0x95: {  	_ =	strace s6  }
0x96: {  	s6 =	sld [smem:$0x3FFC];
	_ =	sdelay $0x3  }
0x97: {  	_ =	strace s6  }
0x98: {  	s6 =	sld [smem:$0x3FFD];
	_ =	sdelay $0x3  }
0x99: {  	_ =	strace s6  }
0x9a: {  	_ =	strace $0x8FFFFFFF  }
0x9b: {  	s20 =	sld [smem:$0x3FDB];
	_ =	sdelay $0x1  }
0x9c: {  	s7 =	simm.s32 $_scs_section_size  }
0x9d: {  	s8 =	simm.s32 $_size__tile_overlayer_lowered;
	s9 =	simm.s32 $_tile_overlayer_lowered  }
0x9e: {  	s23 =	simm.s32 $0x1BFF;
	s22 =	sshll.u32 s9, $0x1;
	s6 =	sadd.s32 s7, s20  }
0x9f: {  	s10 =	simm.s32 $0x0;
	s21 =	sshll.u32 s8, $0x1;
	s8 =	sadd.s32 s22, s6  }
0xa0: {  	[timem:s10], [sflag:s23] =	dma.local [hbm:s8], s21  }
0xa1: {  	_ =	swait.ge [sflag:s23], s21  }
0xa2: {  	s7 =	ssub.s32 $0x0, s21;
	[sflag:s23] =	ssyncset.done $0x0  }
0xa3: {  	[sflag:s23] =	ssyncadd.s32 s7;
	_ =	sdelay $0x1  }
0xa4: {  	s24 =	simm.s32 $0x1B8B  }
0xa5: {  	_ =	swait.ge [sflag:s24], $0x1  }
0xa6: {  	[sflag:s24] =	ssyncset.done $0x0  }
0xa7: {  	s25 =	simm.s32 $0x1B8E;
	[sflag:s24] =	ssyncadd.s32 $0xFFFFFFFF  }
0xa8: {  	s26 =	simm.s32 $execute0_lowered;
	[smem:$0x3FD2] =	sst s25  }
0xa9: {  	s7 =	sshll.u32 s26, $0x1;
	_ =	strace $0x80000046;
	[dreg:$0x1] =	wrdreg $0xFFFFFFFF  }
0xaa: {  	s28 =	simm.s32 $_size_execute0_lowered;
	s6 =	sadd.s32 s6, s7;
	[dreg:$0x0] =	wrdreg $0x0  }
0xab: {  	s7 =	sshll.u32 s28, $0x1;
	[dreg:$0x2] =	wrdreg s6  }
0xac: {  	[dreg:$0x3] =	wrdreg s7  }
0xad: {  	[dreg:$0x4] =	wrdreg $0xC0  }
0xae: {  	_ =	task [dreg:s10], $0x5FFFF  }
0xaf: {  	[dreg:$0x1] =	wrdreg $0xFFFFFFFF  }
0xb0: {  	[dreg:$0x0] =	wrdreg $0x60  }
0xb1: {  	[dreg:$0x2] =	wrdreg s19  }
0xb2: {  	[dreg:$0x3] =	wrdreg s2  }
0xb3: {  	[dreg:$0x4] =	wrdreg s4  }
0xb4: {  	[dreg:$0x5] =	wrdreg s5  }
0xb5: {  	[dreg:$0x6] =	wrdreg $0x64000  }
0xb6: {  	[dreg:$0x7] =	wrdreg $0x9  }
0xb7: {  	_ =	task.clear_ibuf [dreg:s10], $0x8FFFF;
	_ =	strace $0x90000046  }
0xb8: {  	s29 =	simm.s32 $0x9;
	_ =	strace $0x80000048  }
0xb9: {  	_ =	swait.ge [sflag:s29], $0x1  }
0xba: {  	[sflag:s29] =	ssyncadd.s32 $0xFFFFFFFF  }
0xbb: {  	_ =	strace $0x90000048  }
0xbc: {  	_ =	sfence  }
0xbd: {  	s30 =	sld [smem:$0x0];
	_ =	sdelay $0x2  }
0xbe: {  	s31 =	sshll.u32 s1, $0xD;
	s1 =	sshrl.u32 s1, $0x2  }
0xbf: {  	s3 =	sand.u32 $0x4000, s31;
	s1 =	sadd.s32 s1, s30  }
0xc0: {  	s0 =	sor.u32 s3, s0;
	s1 =	sshll.u32 s1, $0x11  }
0xc1: {  	s0 =	sor.u32 s1, s0  }
0xc2: {  	s0 =	sadd.s32 $0x8F2B, s0  }
0xc3: {  	[sflag:s0] =	ssyncadd.remote.s32 $0x1  }
0xc4: {  	_ =	sfence.sel $0xFFFF  }
0xc5: {  	[dreg:$0x0] =	wrdreg $0xFFFFFFFF;
	(pc) =	sbr.abs _section_cstart, $3  }
0xc6: {  	[dreg:$0x1] =	wrdreg $0xFFFFFFFF  }
0xc7: {  	_ =	task.clear_ibuf [dreg:s10], $0x2FFFF;
	_ =	strace $0x9FFFFFFF  }
0xc8: {  	(tm) =	ssettm $0x7FFFFFFF  }
0xc9: {  	_ =	shalt  }
tec
execute0_lowered:
.L_overlay_start_1:
0x0: {  	(tag) =	ssettag $0x1  }
0x1: {  	s0 =	rddreg [dreg:$0x0]  }
0x2: {  	s1 =	rddreg [dreg:$0x1]  }
0x3: {  	s2 =	srdreg.scid;
	s8 =	stileid.u32  }
0x4: {  	s5 =	rddreg [dreg:$0x2];
	s19 =	smul.u32 $0x320000, s8  }
0x5: {  	s7 =	rddreg [dreg:$0x3];
	s21 =	smul.u32 $0x64000, s8  }
0x6: {  	s16 =	simm.s32 $0x9;
	s6 =	sand.u32 $0x1, s2;
	s24 =	smul.u32 $0x6400, s8  }
0x7: {  	s30 =	simm.s32 $0xE800;
	s28 =	simm.s32 $0xC;
	s11 =	smul.u32 $0xC800, s6  }
0x8: {  	s31 =	simm.s32 $0x5;
	s29 =	simm.s32 $0x6;
	s4 =	smul.u32 $0x64, s6  }
0x9: {  	s2 =	rddreg [dreg:$0x4];
	p0 =	sne.s32 s8, $0x0;
	s17 =	smul.u32 $0x3200000, s6  }
0xa: {  	s3 =	sshll.u32 s6, $0x4;
	s10 =	ssub.s32 $0x2, s6;
	s13 =	smul.u32 $0x640000, s6  }
0xb: {  	s6 =	smul.u32 $0x64000, s6;
	s3 =	sor.u32 s8, s3;
	s12 =	sshrl.u32 s10, $0x1  }
0xc: {  	s8 =	simm.s32 $0x7;
	s9 =	smul.u32 $0x6400, s3;
	s3 =	simm.s32 $0x0  }
0xd: {  	s10 =	ssub.s32 s10, s12;
	s5 =	sadd.s32 s5, s11;
	s22 =	sadd.s32 s19, s17  }
0xe: {  	s25 =	sadd.s32 s13, s7;
	s26 =	sadd.s32 s24, s6;
	s17 =	simm.s32 $0x40  }
0xf: {  	s24 =	simm.s32 $0x10800;
	s11 =	simm.s32 $0x14800;
	s12 =	simm.s32 $0xF  }
0x10: {  	s13 =	simm.s32 $0x8;
	s6 =	simm.s32 $0x0;
	[smem:$0x7FF] =	sst s3  }
0x11: {  	s23 =	sshrl.u32 s22, $0x3;
	_ =	strace $0x80000047;
	s18 =	sshrl.u32 s9, $0xC  }
0x12: {  	[dreg:$0x6] =	wrdreg s5;
	s9 =	sshrl.u32 s9, $0x3;
	s5 =	ssub.s32 s18, s4  }
0x13: {  	s10 =	smax.u32 s10, $0x1;
	s1 =	sadd.s32 s1, s9;
	s20 =	sshll.u32 s5, $0xE  }
0x14: {  	s22 =	simm.s32 $0x1A800;
	[dreg:$0x7] =	wrdreg s1;
	s1 =	sshra.s32 s20, $0x2  }
0x15: {  	[dreg:$0x9] =	wrdreg s10;
	s5 =	simm.s32 $0xE;
	s1 =	sadd.s32 s1, s2  }
.Ltmp0:
0x16: {  	[dreg:$0x8] =	wrdreg s1;
	s1 =	sadd.s32 s23, s7;
	(pc) =	sbr.rel .LBB2_1-.Ltmp0, $4  }
0x17: {  	s20 =	simm.s32 $0xA;
	[dreg:$0xa] =	wrdreg s1;
	s1 =	sadd.s32 s21, s25  }
0x18: {  	s23 =	simm.s32 $0xB;
	[dreg:$0xb] =	wrdreg s1;
	s1 =	sor.u32 $0x180, s26  }
0x19: {  	s7 =	simm.s32 $0x10;
	[dreg:$0xc] =	wrdreg s1;
	s1 =	sshrl.u32 @!p0 s2, $0x3  }
0x1a: {  	s26 =	simm.s32 $0x4;
	[dreg:$0xd] =	wrdreg s1;
	s1 =	simm.s32 $0xD  }
.LBB2_5:
0x1b: {  	s6 =	rddreg [dreg:$0xe]  }
0x1c: {  	s9 =	rddreg [dreg:$0x9];
	s6 =	sadd.s32 $0x1, s6  }
0x1d: {  	p1 =	sne.s32 s6, s9  }
.Ltmp1:
0x1e: {  	_ = 	snop;
	(pc) =	sbr.rel @!p1 .LBB2_6-.Ltmp1, $1  }
0x1f: {  	_ =	sdelay $0x3  }
.LBB2_1:
0x20: {  	[dreg:$0xe] =	wrdreg s6  }
0x21: {  	s10 =	rddreg [dreg:$0x6]  }
0x22: {  	s9 =	simm.s32 @!p0 $0x1C11;
	s14 =	rddreg [dreg:$0xd]  }
0x23: {  	[spmem:s14], [sflag:s9] =	dma.local @!p0 [hbm:s10], $0xC800  }
0x24: {  	s9 =	simm.s32 @!p0 $0x11  }
0x25: {  	_ =	swait.ge @!p0 [sflag:s9], $0xC800  }
0x26: {  	[sflag:s9] =	ssyncset.done @!p0 $0x0  }
0x27: {  	[sflag:s9] =	ssyncadd.s32 @!p0 $0xFFFF3800  }
0x28: {  	[bflag:$0x0] =	sbarrier.arrive $0xFFFF  }
0x29: {  	s19 =	simm.s32 $0x11;
	s18 =	rddreg [dreg:$0x7]  }
0x2a: {  	[tilespmem:s3], [sflag:$0x11] =	stream.linear.gather [hbm4b:s18+s3], $0x6400, $0x38;
	[tilespmem:$0x1C800] =	vst v63  }
0x2b: {  	_ =	swait.ge [sflag:s19], $0x6400  }
0x2c: {  	[sflag:s19] =	ssyncset.done $0x0  }
0x2d: {  	s21 =	simm.s32 $0xC800;
	s9 =	rddreg [dreg:$0x8];
	[sflag:s19] =	ssyncadd.s32 $0xFFFF9C00  }
0x2e: {  	[tilespmem:s21], [sflag:$0x9] =	stream.linear.gather [spmem:s9], $0x1000, $0x38;
	[tilespmem:$0x1C800] =	vst v63  }
0x2f: {  	s6 =	simm.s32 $0xD800  }
0x30: {  	[tilespmem:s6], [sflag:$0x9] =	stream.linear.gather [spmem:s9], $0x1000, $0x38;
	[tilespmem:$0x1C800] =	vst v63  }
0x31: {  	_ =	swait.ge [sflag:s16], $0x1000  }
0x32: {  	[sflag:s16] =	ssyncset.done $0x0  }
0x33: {  	[sflag:s16] =	ssyncadd.s32 $0xFFFFF000  }
0x34: {  	_ =	swait.ge [sflag:s16], $0x1000  }
0x35: {  	[sflag:s16] =	ssyncset.done $0x0  }
0x36: {  	[sflag:s16] =	ssyncadd.s32 $0xFFFFF000  }
0x37: {  	[tilespmem:s21], [sflag:$0x1] =	stream.indirect.gather.add.f32 [hbm:s0], $0x80, s3, s17, $0xb8;
	[tilespmem:$0x1C800] =	vst v63  }
0x38: {  	_ = 	snop  }
0x39: {  	[tilespmem:s30], [sflag:$0xA] =	stream.linear.gather [spmem:s9], $0x1000, $0x38;
	[tilespmem:$0x1C800] =	vst v63  }
0x3a: {  	s14 =	simm.s32 $0xF800  }
0x3b: {  	[tilespmem:s14], [sflag:$0xA] =	stream.linear.gather [spmem:s9], $0x1000, $0x38;
	[tilespmem:$0x1C800] =	vst v63  }
0x3c: {  	_ =	swait.ge [sflag:s20], $0x1000  }
0x3d: {  	[sflag:s20] =	ssyncset.done $0x0  }
0x3e: {  	[sflag:s20] =	ssyncadd.s32 $0xFFFFF000  }
0x3f: {  	_ =	swait.ge [sflag:s20], $0x1000  }
0x40: {  	[sflag:s20] =	ssyncset.done $0x0  }
0x41: {  	[sflag:s20] =	ssyncadd.s32 $0xFFFFF000  }
0x42: {  	[tilespmem:s30], [sflag:$0x2] =	stream.indirect.gather.add.f32 [hbm:s0], $0x80, s17, s17, $0xb8;
	[tilespmem:$0x1C800] =	vst v63  }
0x43: {  	_ = 	snop  }
0x44: {  	[tilespmem:s24], [sflag:$0xB] =	stream.linear.gather [spmem:s9], $0x1000, $0x38;
	[tilespmem:$0x1C800] =	vst v63  }
0x45: {  	s15 =	simm.s32 $0x11800  }
0x46: {  	[tilespmem:s15], [sflag:$0xB] =	stream.linear.gather [spmem:s9], $0x1000, $0x38;
	[tilespmem:$0x1C800] =	vst v63  }
0x47: {  	_ =	swait.ge [sflag:s23], $0x1000  }
0x48: {  	[sflag:s23] =	ssyncset.done $0x0  }
0x49: {  	[sflag:s23] =	ssyncadd.s32 $0xFFFFF000  }
0x4a: {  	_ =	swait.ge [sflag:s23], $0x1000  }
0x4b: {  	[sflag:s23] =	ssyncset.done $0x0  }
0x4c: {  	s18 =	simm.s32 $0x80;
	[sflag:s23] =	ssyncadd.s32 $0xFFFFF000  }
0x4d: {  	[tilespmem:s24], [sflag:$0x3] =	stream.indirect.gather.add.f32 [hbm:s0], $0x80, s18, s17, $0xb8;
	[tilespmem:$0x1C800] =	vst v63  }
0x4e: {  	s6 =	simm.s32 $0x12800  }
0x4f: {  	[tilespmem:s6], [sflag:$0xC] =	stream.linear.gather [spmem:s9], $0x1000, $0x38;
	[tilespmem:$0x1C800] =	vst v63  }
0x50: {  	s19 =	simm.s32 $0x13800  }
0x51: {  	[tilespmem:s19], [sflag:$0xC] =	stream.linear.gather [spmem:s9], $0x1000, $0x38;
	[tilespmem:$0x1C800] =	vst v63  }
0x52: {  	_ =	swait.ge [sflag:s28], $0x1000  }
0x53: {  	[sflag:s28] =	ssyncset.done $0x0  }
.Ltmp2:
0x54: {  	[sflag:s28] =	ssyncadd.s32 $0xFFFFF000;
	(pc) =	sbr.rel .LBB2_2-.Ltmp2, $4  }
0x55: {  	s25 =	simm.s32 $0xC800;
	s21 =	simm.s32 $0xC0;
	_ =	swait.ge [sflag:s28], $0x1000  }
0x56: {  	s14 =	simm.s32 $0x0;
	s15 =	simm.s32 $0x16800;
	[sflag:s28] =	ssyncset.done $0x0  }
0x57: {  	s9 =	simm.s32 $0x180;
	s10 =	rddreg [dreg:$0xc];
	[sflag:s28] =	ssyncadd.s32 $0xFFFFF000  }
0x58: {  	[tilespmem:s6], [sflag:$0x4] =	stream.indirect.gather.add.f32 [hbm:s0], $0x80, s21, s17, $0xb8;
	[tilespmem:$0x1C800] =	vst v63  }
.LBB2_4:
0x59: {  	_ =	swait.ge [sflag:s31], $0x2000  }
0x5a: {  	[sflag:s31] =	ssyncset.done $0x0  }
0x5b: {  	[sflag:s31] =	ssyncadd.s32 $0xFFFFE000  }
0x5c: {  	_ =	swait.ge [sflag:s29], $0x2000  }
0x5d: {  	[sflag:s29] =	ssyncset.done $0x0  }
0x5e: {  	[sflag:s29] =	ssyncadd.s32 $0xFFFFE000  }
0x5f: {  	_ =	swait.ge [sflag:s8], $0x2000  }
0x60: {  	[sflag:s8] =	ssyncset.done $0x0  }
0x61: {  	[sflag:s8] =	ssyncadd.s32 $0xFFFFE000  }
0x62: {  	_ =	swait.ge [sflag:s13], $0x2000  }
0x63: {  	[sflag:s13] =	ssyncset.done $0x0  }
0x64: {  	s21 =	sadd.s32 $0x1000, s18;
	[sflag:s13] =	ssyncadd.s32 $0xFFFFE000  }
0x65: {  	[hbm4b:s21+s3] =	stream.linear.scatter [tilespmem:s11], [sflag:$0xD], $0x2000, $0x38;
	[tilespmem:$0x1C800] =	vst v63  }
0x66: {  	s19 =	sadd.s32 $0x1400, s18;
	s15 =	simm.s32 $0x16800  }
0x67: {  	[hbm4b:s19+s3] =	stream.linear.scatter [tilespmem:s15], [sflag:$0xE], $0x2000, $0x38;
	[tilespmem:$0x1C800] =	vst v63  }
0x68: {  	s21 =	sadd.s32 $0x1800, s18;
	s19 =	simm.s32 $0x18800  }
0x69: {  	[hbm4b:s21+s3] =	stream.linear.scatter [tilespmem:s19], [sflag:$0xF], $0x2000, $0x38;
	[tilespmem:$0x1C800] =	vst v63  }
0x6a: {  	s19 =	sadd.s32 $0x1C00, s18;
	s21 =	simm.s32 $0x1A800  }
0x6b: {  	[hbm4b:s19+s3] =	stream.linear.scatter [tilespmem:s21], [sflag:$0x10], $0x2000, $0x38;
	[tilespmem:$0x1C800] =	vst v63  }
0x6c: {  	_ =	swait.ge [sflag:s1], $0x2000  }
0x6d: {  	[sflag:s1] =	ssyncset.done $0x0  }
0x6e: {  	[sflag:s1] =	ssyncadd.s32 $0xFFFFE000  }
0x6f: {  	_ =	swait.ge [sflag:s5], $0x2000  }
0x70: {  	[sflag:s5] =	ssyncset.done $0x0  }
0x71: {  	s14 =	sadd.s32 $0x2000, s14;
	[sflag:s5] =	ssyncadd.s32 $0xFFFFE000  }
0x72: {  	p1 =	sne.s32 s14, $0x64000;
	_ =	swait.ge [sflag:s12], $0x2000  }
.Ltmp3:
0x73: {  	[sflag:s12] =	ssyncset.done $0x0;
	(pc) =	sbr.rel @!p1 .LBB2_5-.Ltmp3, $4  }
0x74: {  	[sflag:s12] =	ssyncadd.s32 $0xFFFFE000  }
0x75: {  	_ =	swait.ge [sflag:s7], $0x2000  }
0x76: {  	[sflag:s7] =	ssyncset.done $0x0  }
0x77: {  	s9 =	sadd.s32 $0x200, s9;
	s10 =	sadd.s32 $0x200, s10;
	[sflag:s7] =	ssyncadd.s32 $0xFFFFE000  }
.LBB2_2:
0x78: {  	s18 =	sadd.s32 $0xFFFFFF80, s10  }
0x79: {  	s18 =	sshrl.u32 s18, $0xC  }
0x7a: {  	s18 =	ssub.s32 s18, s4  }
0x7b: {  	s18 =	sshll.u32 s18, $0xE  }
0x7c: {  	s18 =	sshra.s32 s18, $0x2  }
0x7d: {  	s18 =	sadd.s32 s18, s2  }
0x7e: {  	[tilespmem:s11], [sflag:$0xD] =	stream.linear.gather [spmem:s18], $0x1000, $0x38;
	[tilespmem:$0x1C800] =	vst v63  }
0x7f: {  	s21 =	simm.s32 $0x15800  }
0x80: {  	[tilespmem:s21], [sflag:$0xD] =	stream.linear.gather [spmem:s18], $0x1000, $0x38;
	[tilespmem:$0x1C800] =	vst v63  }
0x81: {  	_ =	swait.ge [sflag:s1], $0x1000  }
0x82: {  	[sflag:s1] =	ssyncset.done $0x0  }
0x83: {  	[sflag:s1] =	ssyncadd.s32 $0xFFFFF000  }
0x84: {  	_ =	swait.ge [sflag:s1], $0x1000  }
0x85: {  	[sflag:s1] =	ssyncset.done $0x0  }
0x86: {  	s21 =	sadd.s32 $0xFFFFFF80, s9;
	[sflag:s1] =	ssyncadd.s32 $0xFFFFF000  }
0x87: {  	[tilespmem:s11], [sflag:$0x5] =	stream.indirect.gather.add.f32 [hbm:s0], $0x80, s21, s17, $0xb8;
	[tilespmem:$0x1C800] =	vst v63  }
0x88: {  	s21 =	sadd.s32 $0xFFFFFFC0, s10  }
0x89: {  	s18 =	sshrl.u32 s21, $0xC  }
0x8a: {  	s18 =	ssub.s32 s18, s4  }
0x8b: {  	s18 =	sshll.u32 s18, $0xE  }
0x8c: {  	s18 =	sshra.s32 s18, $0x2  }
0x8d: {  	s18 =	sadd.s32 s18, s2  }
0x8e: {  	[tilespmem:s15], [sflag:$0xE] =	stream.linear.gather [spmem:s18], $0x1000, $0x38;
	[tilespmem:$0x1C800] =	vst v63  }
0x8f: {  	s21 =	simm.s32 $0x17800  }
0x90: {  	[tilespmem:s21], [sflag:$0xE] =	stream.linear.gather [spmem:s18], $0x1000, $0x38;
	[tilespmem:$0x1C800] =	vst v63  }
0x91: {  	_ =	swait.ge [sflag:s5], $0x1000  }
0x92: {  	[sflag:s5] =	ssyncset.done $0x0  }
0x93: {  	[sflag:s5] =	ssyncadd.s32 $0xFFFFF000  }
0x94: {  	_ =	swait.ge [sflag:s5], $0x1000  }
0x95: {  	[sflag:s5] =	ssyncset.done $0x0  }
0x96: {  	s21 =	sadd.s32 $0xFFFFFFC0, s9;
	[sflag:s5] =	ssyncadd.s32 $0xFFFFF000  }
0x97: {  	[tilespmem:s15], [sflag:$0x6] =	stream.indirect.gather.add.f32 [hbm:s0], $0x80, s21, s17, $0xb8;
	[tilespmem:$0x1C800] =	vst v63  }
0x98: {  	s15 =	sshrl.u32 s10, $0xC  }
0x99: {  	s18 =	ssub.s32 s15, s4  }
0x9a: {  	s18 =	sshll.u32 s18, $0xE  }
0x9b: {  	s18 =	sshra.s32 s18, $0x2  }
0x9c: {  	s19 =	simm.s32 $0x18800;
	s18 =	sadd.s32 s18, s2  }
0x9d: {  	[tilespmem:s19], [sflag:$0xF] =	stream.linear.gather [spmem:s18], $0x1000, $0x38;
	[tilespmem:$0x1C800] =	vst v63  }
0x9e: {  	s21 =	simm.s32 $0x19800  }
0x9f: {  	[tilespmem:s21], [sflag:$0xF] =	stream.linear.gather [spmem:s18], $0x1000, $0x38;
	[tilespmem:$0x1C800] =	vst v63  }
0xa0: {  	_ =	swait.ge [sflag:s12], $0x1000  }
0xa1: {  	[sflag:s12] =	ssyncset.done $0x0  }
0xa2: {  	[sflag:s12] =	ssyncadd.s32 $0xFFFFF000  }
0xa3: {  	_ =	swait.ge [sflag:s12], $0x1000  }
0xa4: {  	[sflag:s12] =	ssyncset.done $0x0  }
0xa5: {  	[sflag:s12] =	ssyncadd.s32 $0xFFFFF000  }
0xa6: {  	[tilespmem:s19], [sflag:$0x7] =	stream.indirect.gather.add.f32 [hbm:s0], $0x80, s9, s17, $0xb8;
	[tilespmem:$0x1C800] =	vst v63  }
0xa7: {  	s19 =	sadd.s32 $0x40, s10  }
0xa8: {  	s18 =	sshrl.u32 s19, $0xC  }
0xa9: {  	s18 =	ssub.s32 s18, s4  }
0xaa: {  	s18 =	sshll.u32 s18, $0xE  }
0xab: {  	s18 =	sshra.s32 s18, $0x2  }
0xac: {  	s18 =	sadd.s32 s18, s2  }
0xad: {  	[tilespmem:s22], [sflag:$0x10] =	stream.linear.gather [spmem:s18], $0x1000, $0x38;
	[tilespmem:$0x1C800] =	vst v63  }
0xae: {  	s21 =	simm.s32 $0x1B800  }
0xaf: {  	[tilespmem:s21], [sflag:$0x10] =	stream.linear.gather [spmem:s18], $0x1000, $0x38;
	[tilespmem:$0x1C800] =	vst v63  }
0xb0: {  	_ =	swait.ge [sflag:s7], $0x1000  }
0xb1: {  	[sflag:s7] =	ssyncset.done $0x0  }
0xb2: {  	[sflag:s7] =	ssyncadd.s32 $0xFFFFF000  }
0xb3: {  	_ =	swait.ge [sflag:s7], $0x1000  }
0xb4: {  	[sflag:s7] =	ssyncset.done $0x0  }
0xb5: {  	s19 =	sadd.s32 $0x40, s9;
	s21 =	simm.s32 $0x1;
	[sflag:s7] =	ssyncadd.s32 $0xFFFFF000  }
0xb6: {  	[tilespmem:s22], [sflag:$0x8] =	stream.indirect.gather.add.f32 [hbm:s0], $0x80, s19, s17, $0xb8;
	[tilespmem:$0x1C800] =	vst v63  }
0xb7: {  	_ =	swait.ge [sflag:s21], $0x2000  }
0xb8: {  	[sflag:s21] =	ssyncset.done $0x0  }
0xb9: {  	s18 =	simm.s32 $0x2;
	[sflag:s21] =	ssyncadd.s32 $0xFFFFE000  }
0xba: {  	_ =	swait.ge [sflag:s18], $0x2000  }
0xbb: {  	[sflag:s18] =	ssyncset.done $0x0  }
0xbc: {  	s19 =	simm.s32 $0x3;
	[sflag:s18] =	ssyncadd.s32 $0xFFFFE000  }
0xbd: {  	_ =	swait.ge [sflag:s19], $0x2000  }
0xbe: {  	[sflag:s19] =	ssyncset.done $0x0  }
0xbf: {  	[sflag:s19] =	ssyncadd.s32 $0xFFFFE000  }
0xc0: {  	_ =	swait.ge [sflag:s26], $0x2000  }
0xc1: {  	[sflag:s26] =	ssyncset.done $0x0;
	s21 =	rddreg [dreg:$0xa]  }
0xc2: {  	s15 =	rddreg [dreg:$0xb];
	[sflag:s26] =	ssyncadd.s32 $0xFFFFE000;
	s18 =	sadd.s32 s14, s21  }
0xc3: {  	[hbm4b:s18+s3] =	stream.linear.scatter [tilespmem:s25], [sflag:$0x9], $0x2000, $0x38;
	[tilespmem:$0x1C800] =	vst v63  }
0xc4: {  	s18 =	sadd.s32 s14, s15  }
0xc5: {  	s19 =	sadd.s32 $0x400, s18  }
0xc6: {  	[hbm4b:s19+s3] =	stream.linear.scatter [tilespmem:s30], [sflag:$0xA], $0x2000, $0x38;
	[tilespmem:$0x1C800] =	vst v63  }
0xc7: {  	s15 =	sadd.s32 $0x800, s18  }
0xc8: {  	[hbm4b:s15+s3] =	stream.linear.scatter [tilespmem:s24], [sflag:$0xB], $0x2000, $0x38;
	[tilespmem:$0x1C800] =	vst v63  }
0xc9: {  	s19 =	sadd.s32 $0xC00, s18  }
0xca: {  	[hbm4b:s19+s3] =	stream.linear.scatter [tilespmem:s6], [sflag:$0xC], $0x2000, $0x38;
	[tilespmem:$0x1C800] =	vst v63  }
0xcb: {  	_ =	swait.ge [sflag:s16], $0x2000  }
0xcc: {  	[sflag:s16] =	ssyncset.done $0x0  }
0xcd: {  	[sflag:s16] =	ssyncadd.s32 $0xFFFFE000  }
0xce: {  	_ =	swait.ge [sflag:s20], $0x2000  }
0xcf: {  	[sflag:s20] =	ssyncset.done $0x0  }
0xd0: {  	[sflag:s20] =	ssyncadd.s32 $0xFFFFE000  }
0xd1: {  	p1 =	seq.s32 s14, $0x62000;
	_ =	swait.ge [sflag:s23], $0x2000  }
.Ltmp4:
0xd2: {  	[sflag:s23] =	ssyncset.done $0x0;
	(pc) =	sbr.rel @p1 .LBB2_4-.Ltmp4, $4  }
0xd3: {  	[sflag:s23] =	ssyncadd.s32 $0xFFFFE000  }
0xd4: {  	_ =	swait.ge [sflag:s28], $0x2000  }
0xd5: {  	[sflag:s28] =	ssyncset.done $0x0  }
0xd6: {  	[sflag:s28] =	ssyncadd.s32 $0xFFFFE000  }
0xd7: {  	s21 =	sadd.s32 $0x80, s10  }
0xd8: {  	s21 =	sshrl.u32 s21, $0xC  }
0xd9: {  	s21 =	ssub.s32 s21, s4  }
0xda: {  	s21 =	sshll.u32 s21, $0xE  }
0xdb: {  	s21 =	sshra.s32 s21, $0x2  }
0xdc: {  	s30 =	simm.s32 $0xC800;
	s21 =	sadd.s32 s21, s2  }
0xdd: {  	[tilespmem:s30], [sflag:$0x9] =	stream.linear.gather [spmem:s21], $0x1000, $0x38;
	[tilespmem:$0x1C800] =	vst v63  }
0xde: {  	s25 =	simm.s32 $0xD800  }
0xdf: {  	[tilespmem:s25], [sflag:$0x9] =	stream.linear.gather [spmem:s21], $0x1000, $0x38;
	[tilespmem:$0x1C800] =	vst v63  }
0xe0: {  	_ =	swait.ge [sflag:s16], $0x1000  }
0xe1: {  	s15 =	sadd.s32 $0xC0, s10;
	[sflag:s16] =	ssyncset.done $0x0  }
0xe2: {  	s21 =	sshrl.u32 s15, $0xC;
	[sflag:s16] =	ssyncadd.s32 $0xFFFFF000  }
0xe3: {  	s21 =	ssub.s32 s21, s4;
	_ =	swait.ge [sflag:s16], $0x1000  }
0xe4: {  	s21 =	sshll.u32 s21, $0xE;
	[sflag:s16] =	ssyncset.done $0x0  }
0xe5: {  	s11 =	sadd.s32 $0x80, s9;
	s21 =	sshra.s32 s21, $0x2;
	[sflag:s16] =	ssyncadd.s32 $0xFFFFF000  }
0xe6: {  	[tilespmem:s30], [sflag:$0x1] =	stream.indirect.gather.add.f32 [hbm:s0], $0x80, s11, s17, $0xb8;
	[tilespmem:$0x1C800] =	vst v63  }
0xe7: {  	s21 =	sadd.s32 s21, s2;
	s30 =	simm.s32 $0xE800  }
0xe8: {  	[tilespmem:s30], [sflag:$0xA] =	stream.linear.gather [spmem:s21], $0x1000, $0x38;
	[tilespmem:$0x1C800] =	vst v63  }
0xe9: {  	s24 =	simm.s32 $0xF800  }
0xea: {  	[tilespmem:s24], [sflag:$0xA] =	stream.linear.gather [spmem:s21], $0x1000, $0x38;
	[tilespmem:$0x1C800] =	vst v63  }
0xeb: {  	_ =	swait.ge [sflag:s20], $0x1000  }
0xec: {  	s6 =	sadd.s32 $0x100, s10;
	[sflag:s20] =	ssyncset.done $0x0  }
0xed: {  	s21 =	sshrl.u32 s6, $0xC;
	[sflag:s20] =	ssyncadd.s32 $0xFFFFF000  }
0xee: {  	s21 =	ssub.s32 s21, s4;
	_ =	swait.ge [sflag:s20], $0x1000  }
0xef: {  	s21 =	sshll.u32 s21, $0xE;
	[sflag:s20] =	ssyncset.done $0x0  }
0xf0: {  	s19 =	sadd.s32 $0xC0, s9;
	s21 =	sshra.s32 s21, $0x2;
	[sflag:s20] =	ssyncadd.s32 $0xFFFFF000  }
0xf1: {  	[tilespmem:s30], [sflag:$0x2] =	stream.indirect.gather.add.f32 [hbm:s0], $0x80, s19, s17, $0xb8;
	[tilespmem:$0x1C800] =	vst v63  }
0xf2: {  	s24 =	simm.s32 $0x10800;
	s21 =	sadd.s32 s21, s2  }
0xf3: {  	[tilespmem:s24], [sflag:$0xB] =	stream.linear.gather [spmem:s21], $0x1000, $0x38;
	[tilespmem:$0x1C800] =	vst v63  }
0xf4: {  	s6 =	simm.s32 $0x11800  }
0xf5: {  	[tilespmem:s6], [sflag:$0xB] =	stream.linear.gather [spmem:s21], $0x1000, $0x38;
	[tilespmem:$0x1C800] =	vst v63  }
0xf6: {  	_ =	swait.ge [sflag:s23], $0x1000  }
0xf7: {  	s15 =	sadd.s32 $0x140, s10;
	[sflag:s23] =	ssyncset.done $0x0  }
0xf8: {  	s21 =	sshrl.u32 s15, $0xC;
	[sflag:s23] =	ssyncadd.s32 $0xFFFFF000  }
0xf9: {  	s21 =	ssub.s32 s21, s4;
	_ =	swait.ge [sflag:s23], $0x1000  }
0xfa: {  	s21 =	sshll.u32 s21, $0xE;
	[sflag:s23] =	ssyncset.done $0x0  }
0xfb: {  	s11 =	sadd.s32 $0x100, s9;
	s21 =	sshra.s32 s21, $0x2;
	[sflag:s23] =	ssyncadd.s32 $0xFFFFF000  }
0xfc: {  	[tilespmem:s24], [sflag:$0x3] =	stream.indirect.gather.add.f32 [hbm:s0], $0x80, s11, s17, $0xb8;
	[tilespmem:$0x1C800] =	vst v63  }
0xfd: {  	s6 =	simm.s32 $0x12800;
	s21 =	sadd.s32 s21, s2  }
0xfe: {  	[tilespmem:s6], [sflag:$0xC] =	stream.linear.gather [spmem:s21], $0x1000, $0x38;
	[tilespmem:$0x1C800] =	vst v63  }
0xff: {  	s11 =	simm.s32 $0x13800  }
0x100: {  	[tilespmem:s11], [sflag:$0xC] =	stream.linear.gather [spmem:s21], $0x1000, $0x38;
	[tilespmem:$0x1C800] =	vst v63  }
0x101: {  	_ =	swait.ge [sflag:s28], $0x1000  }
0x102: {  	[sflag:s28] =	ssyncset.done $0x0  }
.Ltmp5:
0x103: {  	[sflag:s28] =	ssyncadd.s32 $0xFFFFF000;
	(pc) =	sbr.rel .LBB2_4-.Ltmp5, $4  }
0x104: {  	_ =	swait.ge [sflag:s28], $0x1000  }
0x105: {  	s25 =	simm.s32 $0xC800;
	[sflag:s28] =	ssyncset.done $0x0  }
0x106: {  	s19 =	sadd.s32 $0x140, s9;
	s11 =	simm.s32 $0x14800;
	[sflag:s28] =	ssyncadd.s32 $0xFFFFF000  }
0x107: {  	[tilespmem:s6], [sflag:$0x4] =	stream.indirect.gather.add.f32 [hbm:s0], $0x80, s19, s17, $0xb8;
	[tilespmem:$0x1C800] =	vst v63  }
.LBB2_6:
0x108: {  	_ =	sfence.sel $0x180000  }
0x109: {  	[bflag:$0x0] =	sbarrier.arrive $0xFFFF  }
0x10a: {  	_ =	strace $0x90000047  }
0x10b: {  	[bflag:$0x2] =	sbarrier.arrive $0xFFFF  }
0x10c: {  	s0 =	rddreg [dreg:$0x5]  }
0x10d: {  	s0 =	sadd.s32 @!p0 $0x100000, s0  }
0x10e: {  	[sflag:s0] =	ssyncadd.tile.s32 @!p0 $0x1;
	_ =	shalt  }
.Lfunc_end2:
_tile_overlayer_lowered:
.L_overlay_start_2:
0x10f: {  	(tag) =	ssettag $0x2  }
0x110: {  	s0 =	rddreg [dreg:$0x0];
	s2 =	stileid.u32  }
0x111: {  	s1 =	rddreg [dreg:$0x1];
	p0 =	sne.s32 s2, $0x0  }
0x112: {  	s3 =	rddreg [dreg:$0x2];
	[bflag:$0x3] =	sbarrier.arrive $0xFFFF;
	s2 =	simm.s32 @!p0 $0x1C11  }
0x113: {  	[timem:s3], [sflag:s2] =	dma.local @!p0 [hbm:s0], s1  }
0x114: {  	s0 =	simm.s32 @!p0 $0x11  }
0x115: {  	_ =	swait.ge @!p0 [sflag:s0], s1  }
0x116: {  	s1 =	ssub.s32 @!p0 $0x0, s1;
	[sflag:s0] =	ssyncset.done @!p0 $0x0  }
0x117: {  	[sflag:s0] =	ssyncadd.s32 @!p0 s1  }
0x118: {  	[bflag:$0x3] =	sbarrier.arrive $0xFFFF  }
0x119: {  	_ =	shalt  }

</sc_bundles>
